<compile_context>
chip_gen: v7x
topology: tpu7x:2x2x1
jax: 0.10.2.dev20260603
libtpu: 0.0.44.dev20260713+nightly
codegen_flags: <defaults>
</compile_context>

<pallas_src>
import functools

import jax
import jax.numpy as jnp
from jax import lax
from jax.experimental import pallas as pl
from jax.experimental.pallas import tpu as pltpu
from jax.experimental.pallas import tpu_sc as plsc

_N = 10000
_E = 320000
_D = 128
_NPAD = 10240
_NC = 2
_NS = 16
_NW = _NC * _NS
_RPT = _NPAD // _NS
_CW = 128
_EPW = _E // _NW
_NCH = -(-_EPW // _CW)
_EPWP = _NCH * _CW
_EPT = _E // _NS
_DCH = -(-_EPT // _CW)
_EPTP = _DCH * _CW

_mesh = plsc.VectorSubcoreMesh(core_axis_name="c", subcore_axis_name="s")


@functools.partial(
    pl.kernel,
    out_type=[jax.ShapeDtypeStruct((_NPAD,), jnp.float32),
              jax.ShapeDtypeStruct((_NPAD,), jnp.float32)],
    mesh=_mesh,
    scratch_types=[
        pltpu.VMEM((_DCH, _CW), jnp.int32),
        pltpu.VMEM((_CW,), jnp.float32),
        pltpu.VMEM((_RPT,), jnp.float32),
        pltpu.VMEM_SHARED((_NPAD,), jnp.float32),
    ],
)
def _deg_kernel(src_hbm, inv_hbm, deg_hbm, idx_v, ones_v, val_v, deg_sh):
    c = lax.axis_index("c")
    s = lax.axis_index("s")
    pltpu.sync_copy(src_hbm.at[s], idx_v)

    for q in range(_CW // 16):
        ones_v[pl.ds(q * 16, 16)] = jnp.full((16,), 1.0, jnp.float32)

    def _zero_val(j, _):
        val_v[pl.ds(j * 16, 16)] = jnp.zeros((16,), jnp.float32)
        return _

    lax.fori_loop(0, _RPT // 16, _zero_val, None)
    pltpu.sync_copy(val_v, deg_sh.at[pl.ds(s * _RPT, _RPT)])
    plsc.subcore_barrier()

    def _scat(i, _):
        pltpu.sync_copy(ones_v, deg_sh.at[idx_v.at[i]], add=True)
        return _

    lax.fori_loop(0, _DCH, _scat, None)
    plsc.subcore_barrier()
    pltpu.sync_copy(deg_sh.at[pl.ds(s * _RPT, _RPT)], val_v)

    @pl.when(c == 0)
    def _():
        pltpu.sync_copy(val_v, deg_hbm.at[pl.ds(s * _RPT, _RPT)])

    def _inv(j, _):
        v = val_v[pl.ds(j * 16, 16)]
        val_v[pl.ds(j * 16, 16)] = 1.0 / jnp.maximum(v, 1.0)
        return _

    lax.fori_loop(0, _RPT // 16, _inv, None)

    @pl.when(c == 0)
    def _():
        pltpu.sync_copy(val_v, inv_hbm.at[pl.ds(s * _RPT, _RPT)])


@functools.partial(
    pl.kernel,
    out_type=jax.ShapeDtypeStruct((_NC, _NPAD, _D), jnp.float32),
    mesh=_mesh,
    scratch_types=[
        pltpu.VMEM((_NCH, _CW), jnp.int32),
        pltpu.VMEM((_NCH, _CW), jnp.int32),
        pltpu.VMEM((_CW, _D), jnp.float32),
        pltpu.VMEM_SHARED((_NPAD, _D), jnp.float32),
    ],
)
def _agg_kernel(tbl_hbm, src_hbm, dst_hbm, out_hbm, sidx_v, didx_v, buf_v,
                acc_sh):
    c = lax.axis_index("c")
    s = lax.axis_index("s")
    w = s * _NC + c
    pltpu.sync_copy(src_hbm.at[w], sidx_v)
    pltpu.sync_copy(dst_hbm.at[w], didx_v)

    def _zero_buf(i, _):
        for q in range(_D // 16):
            buf_v[i, pl.ds(q * 16, 16)] = jnp.zeros((16,), jnp.float32)
        return _

    lax.fori_loop(0, _CW, _zero_buf, None)

    def _zero_acc(k, _):
        pltpu.sync_copy(buf_v, acc_sh.at[pl.ds(s * _RPT + k * _CW, _CW)])
        return _

    lax.fori_loop(0, _RPT // _CW, _zero_acc, None)
    plsc.subcore_barrier()

    def _step(i, _):
        pltpu.sync_copy(tbl_hbm.at[sidx_v.at[i]], buf_v)
        pltpu.sync_copy(buf_v, acc_sh.at[didx_v.at[i]], add=True)
        return _

    lax.fori_loop(0, _NCH, _step, None)
    plsc.subcore_barrier()
    pltpu.sync_copy(acc_sh.at[pl.ds(s * _RPT, _RPT)],
                    out_hbm.at[c, pl.ds(s * _RPT, _RPT)])


@functools.partial(
    pl.kernel,
    out_type=jax.ShapeDtypeStruct((_NC, _NPAD), jnp.float32),
    mesh=_mesh,
    scratch_types=[
        pltpu.VMEM((_NCH, _CW), jnp.int32),
        pltpu.VMEM((_NCH, _CW), jnp.int32),
        pltpu.VMEM((2, _CW), jnp.float32),
        pltpu.VMEM((_RPT,), jnp.float32),
        pltpu.SemaphoreType.DMA,
        pltpu.VMEM_SHARED((_NPAD,), jnp.float32),
    ],
)
def _aggz_kernel(z_hbm, src_hbm, dst_hbm, out_hbm, sidx_v, didx_v, zbuf_v,
                 val_v, gsem, acc_sh):
    c = lax.axis_index("c")
    s = lax.axis_index("s")
    w = s * _NC + c
    pltpu.sync_copy(src_hbm.at[w], sidx_v)
    pltpu.sync_copy(dst_hbm.at[w], didx_v)

    def _zero_val(j, _):
        val_v[pl.ds(j * 16, 16)] = jnp.zeros((16,), jnp.float32)
        return _

    lax.fori_loop(0, _RPT // 16, _zero_val, None)
    pltpu.sync_copy(val_v, acc_sh.at[pl.ds(s * _RPT, _RPT)])
    plsc.subcore_barrier()

    pltpu.async_copy(z_hbm.at[sidx_v.at[0]], zbuf_v.at[0], gsem)

    def _step(i, _):
        b = lax.rem(i, 2)
        pltpu.make_async_copy(z_hbm.at[sidx_v.at[i]], zbuf_v.at[b],
                              gsem).wait()

        @pl.when(i + 1 < _NCH)
        def _():
            pltpu.async_copy(z_hbm.at[sidx_v.at[i + 1]], zbuf_v.at[1 - b],
                             gsem)

        pltpu.sync_copy(zbuf_v.at[b], acc_sh.at[didx_v.at[i]], add=True)
        return _

    lax.fori_loop(0, _NCH, _step, None)
    plsc.subcore_barrier()
    pltpu.sync_copy(acc_sh.at[pl.ds(s * _RPT, _RPT)],
                    out_hbm.at[c, pl.ds(s * _RPT, _RPT)])


_BR = 400
_HIGH = lax.Precision.HIGHEST


def _scale_body(x_ref, inv_ref, o_ref):
    o_ref[...] = x_ref[...] * inv_ref[...]


_scale = pl.pallas_call(
    _scale_body,
    grid=(_N // _BR,),
    in_specs=[
        pl.BlockSpec((_BR, _D), lambda i: (i, 0)),
        pl.BlockSpec((_BR, 1), lambda i: (i, 0)),
    ],
    out_specs=pl.BlockSpec((_BR, _D), lambda i: (i, 0)),
    out_shape=jax.ShapeDtypeStruct((_N, _D), jnp.float32),
)


def _mm2_body(p_ref, w0_ref, b0_ref, inv_ref, w1_ref, wp_ref, deg_ref,
              z_ref, ws_ref, acc_ref):
    i = pl.program_id(0)
    a = p_ref[0] + p_ref[1]
    h = jnp.dot(a, w0_ref[...], preferred_element_type=jnp.float32,
                precision=_HIGH) + b0_ref[...]
    h1n = jnp.maximum(h, 0.0) * inv_ref[...]
    w1p = jnp.dot(w1_ref[...], wp_ref[...], preferred_element_type=jnp.float32,
                  precision=_HIGH)
    z_ref[...] = jnp.dot(h1n, w1p, preferred_element_type=jnp.float32,
                         precision=_HIGH)
    wcol = jnp.sum(h1n * deg_ref[...], axis=0, keepdims=True)

    @pl.when(i == 0)
    def _():
        acc_ref[...] = wcol

    @pl.when(i > 0)
    def _():
        acc_ref[...] = acc_ref[...] + wcol

    @pl.when(i == _N // _BR - 1)
    def _():
        ws_ref[...] = acc_ref[...]


_mm2 = pl.pallas_call(
    _mm2_body,
    grid=(_N // _BR,),
    in_specs=[
        pl.BlockSpec((_NC, _BR, _D), lambda i: (0, i, 0)),
        pl.BlockSpec((_D, _D), lambda i: (0, 0)),
        pl.BlockSpec((1, _D), lambda i: (0, 0)),
        pl.BlockSpec((_BR, 1), lambda i: (i, 0)),
        pl.BlockSpec((_D, _D), lambda i: (0, 0)),
        pl.BlockSpec((_D, 1), lambda i: (0, 0)),
        pl.BlockSpec((_BR, 1), lambda i: (i, 0)),
    ],
    out_specs=[
        pl.BlockSpec((_BR, 1), lambda i: (i, 0)),
        pl.BlockSpec((1, _D), lambda i: (0, 0)),
    ],
    out_shape=[
        jax.ShapeDtypeStruct((_N, 1), jnp.float32),
        jax.ShapeDtypeStruct((1, _D), jnp.float32),
    ],
    scratch_shapes=[pltpu.VMEM((1, _D), jnp.float32)],
)

_BZ = 512


def _finz_body(az_ref, ws_ref, w1_ref, b1_ref, wp_ref, bp_ref, wv_ref, bv_ref,
               pi_ref, v_ref):
    i = pl.program_id(0)
    az = az_ref[0] + az_ref[1]
    c0 = jnp.dot(b1_ref[...], wp_ref[...], preferred_element_type=jnp.float32,
                 precision=_HIGH) + bp_ref[...]
    pi_ref[...] = az[:, None] + c0

    @pl.when(i == 0)
    def _():
        m = ws_ref[...] * (1.0 / _N)
        h2m = jnp.dot(m, w1_ref[...], preferred_element_type=jnp.float32,
                      precision=_HIGH) + b1_ref[...]
        v_ref[...] = jnp.dot(h2m, wv_ref[...],
                             preferred_element_type=jnp.float32,
                             precision=_HIGH) + bv_ref[...]


_finz = pl.pallas_call(
    _finz_body,
    grid=(_NPAD // _BZ,),
    in_specs=[
        pl.BlockSpec((_NC, _BZ), lambda i: (0, i)),
        pl.BlockSpec((1, _D), lambda i: (0, 0)),
        pl.BlockSpec((_D, _D), lambda i: (0, 0)),
        pl.BlockSpec((1, _D), lambda i: (0, 0)),
        pl.BlockSpec((_D, 1), lambda i: (0, 0)),
        pl.BlockSpec((1, 1), lambda i: (0, 0)),
        pl.BlockSpec((_D, 1), lambda i: (0, 0)),
        pl.BlockSpec((1, 1), lambda i: (0, 0)),
    ],
    out_specs=[
        pl.BlockSpec((_BZ, 1), lambda i: (i, 0)),
        pl.BlockSpec((1, 1), lambda i: (0, 0)),
    ],
    out_shape=[
        jax.ShapeDtypeStruct((_NPAD, 1), jnp.float32),
        jax.ShapeDtypeStruct((1, 1), jnp.float32),
    ],
)


def _pad_slabs(a, nslab, per_slab, per_slab_pad, pad_vals):
    a2 = a.reshape(nslab, per_slab)
    pad = pad_vals.reshape(nslab, per_slab_pad - per_slab)
    return jnp.concatenate([a2, pad], axis=1).reshape(nslab, -1, _CW)


def kernel(x, edge_index, W0, b0, W1, b1, Wp, bp, Wv, bv):
    src = edge_index[0]
    dst = edge_index[1]

    npad_w = _EPWP - _EPW
    pad_src_w = (jnp.arange(_NW * npad_w, dtype=jnp.int32) * 97) % _N
    pad_dst_w = _N + (jnp.arange(_NW * npad_w, dtype=jnp.int32) % (_NPAD - _N))
    npad_t = _EPTP - _EPT
    pad_src_t = _N + (jnp.arange(_NS * npad_t, dtype=jnp.int32) % (_NPAD - _N))

    src3 = _pad_slabs(src, _NW, _EPW, _EPWP, pad_src_w)
    dst3 = _pad_slabs(dst, _NW, _EPW, _EPWP, pad_dst_w)
    src_deg = _pad_slabs(src, _NS, _EPT, _EPTP, pad_src_t)

    inv_pad, deg_pad = _deg_kernel(src_deg)
    inv2 = inv_pad[:_N].reshape(_N, 1)
    deg2 = deg_pad[:_N].reshape(_N, 1)

    xn = _scale(x, inv2)
    p1 = _agg_kernel(xn, src3, dst3)
    z2, wsum = _mm2(p1, W0, b0.reshape(1, _D), inv2, W1, Wp, deg2)
    azp = _aggz_kernel(z2.reshape(_N), src3, dst3)
    PI_pad, V = _finz(azp, wsum, W1, b1.reshape(1, _D), Wp, bp.reshape(1, 1),
                      Wv, bv.reshape(1, 1))
    return (PI_pad[:_N], V)

# --- scband reference (transcript-rebuilt; emitter-appended) ---
"""Pipeline reference for scband-gcn-88553635709104 (READ-ONLY COPY).

The authoritative reference and input builder live on the scoring server;
editing this copy changes nothing except your own understanding.
"""

import jax, jax.numpy as jnp
import numpy as np

N = 10000
E = 320000
D_IN = 128
D_HID = 128
D_OUT = 128


def setup_inputs(seed: int = 0) -> dict:
    key = jax.random.key(seed)
    ks = jax.random.split(key, 12)
    x = jax.random.normal(ks[0], (N, D_IN), dtype=jnp.float32)
    edge_index = jax.random.randint(ks[1], (2, E), 0, N, dtype=jnp.int32)
    s0 = 1.0 / np.sqrt(D_IN)
    s1 = 1.0 / np.sqrt(D_HID)
    s2 = 1.0 / np.sqrt(D_OUT)
    W0 = jax.random.normal(ks[2], (D_IN, D_HID), dtype=jnp.float32) * s0
    b0 = jnp.zeros((D_HID,), dtype=jnp.float32)
    W1 = jax.random.normal(ks[3], (D_HID, D_OUT), dtype=jnp.float32) * s1
    b1 = jnp.zeros((D_OUT,), dtype=jnp.float32)
    Wp = jax.random.normal(ks[4], (D_OUT, 1), dtype=jnp.float32) * s2
    bp = jnp.zeros((1,), dtype=jnp.float32)
    Wv = jax.random.normal(ks[5], (D_OUT, 1), dtype=jnp.float32) * s2
    bv = jnp.zeros((1,), dtype=jnp.float32)
    return {"x": x, "edge_index": edge_index, "W0": W0, "b0": b0, "W1": W1, "b1": b1, "Wp": Wp, "bp": bp, "Wv": Wv, "bv": bv}


def _graph_conv_left(h, src, dst, W, b, apply_relu):
    # DGL GraphConv with norm='left': divide messages by source out-degree
    # (random-walk normalization), then aggregate-sum at destination, then linear.
    deg_out = jax.ops.segment_sum(jnp.ones((E,), dtype=jnp.float32), src, num_segments=N)
    deg_out = jnp.maximum(deg_out, 1.0)
    msg = jnp.take(h, src, axis=0) / deg_out[src][:, None]
    agg = jax.ops.segment_sum(msg, dst, num_segments=N)
    out = agg @ W + b
    if apply_relu:
        out = jax.nn.relu(out)
    return out


def reference(x, edge_index, W0, b0, W1, b1, Wp, bp, Wv, bv):
    src = edge_index[0]
    dst = edge_index[1]
    h = _graph_conv_left(x, src, dst, W0, b0, True)   # layer 0: activation
    h = _graph_conv_left(h, src, dst, W1, b1, False)  # last layer: no activation
    # readout_nodes mean over single graph -> [1, D_OUT]
    mN = jnp.mean(h, axis=0, keepdims=True)
    PI = h @ Wp + bp   # [N, 1]
    V = mN @ Wv + bv   # [1, 1]
    return (PI, V)

if __name__ == "__main__":
    import jax
    _d = setup_inputs()
    print(jax.jit(kernel)(*tuple(_d.values())))

</pallas_src>

<mosaic_0001>
#map = affine_map<(d0, d1) -> (0)>
#map1 = affine_map<(d0, d1) -> (0, 0, 0)>
#map2 = affine_map<(d0, d1) -> (0, 0)>
module attributes {stable_mosaic.version = 14 : i64} {
  func.func @_aggz_kernel(%arg0: i32, %arg1: i32, %arg2: memref<10000xf32, #tpu.memory_space<hbm>>, %arg3: memref<32x79x128xi32, #tpu.memory_space<hbm>>, %arg4: memref<32x79x128xi32, #tpu.memory_space<hbm>>, %arg5: memref<2x10240xf32, #tpu.memory_space<hbm>>, %arg6: memref<79x128xi32, #tpu.memory_space<vmem>>, %arg7: memref<79x128xi32, #tpu.memory_space<vmem>>, %arg8: memref<2x128xf32, #tpu.memory_space<vmem>>, %arg9: memref<640xf32, #tpu.memory_space<vmem>>, %arg10: memref<!tpu.dma_semaphore, #tpu.memory_space<semaphore_mem>>, %arg11: memref<10240xf32, #tpu.memory_space<vmem_shared>>) attributes {dimension_semantics = [#tpu.dimension_semantics<core_parallel>, #tpu.dimension_semantics<subcore_parallel>], iteration_bounds = array<i64: 2, 16>, scalar_prefetch = 0 : i64, scratch_operands = 6 : i64, tpu.core_type = #tpu.core_type<sc_vector_subcore>, window_params = [{transform_indices = #map}, {transform_indices = #map1}, {transform_indices = #map1}, {transform_indices = #map2}]} {
    %mul3A = arith.constant 2 : i32
    %mul3A_0 = arith.muli %arg1, %mul3A : i32
    %add3A = arith.addi %mul3A_0, %arg0 : i32
    "tpu.region"() ({
      %run_scoped3A = tpu.sem_alloc : memref<!tpu.dma_semaphore, #tpu.memory_space<semaphore_mem>>
      %dma_start3A_26 = arith.constant 0 : i32
      %dma_start3A_27 = arith.constant 0 : i32
      %dma_start3A_28 = tpu.memref_slice %arg3[%add3A, %dma_start3A_26, %dma_start3A_27] : memref<32x79x128xi32, #tpu.memory_space<hbm>> -> memref<1x79x128xi32, #tpu.memory_space<hbm>>
      %dma_start3A_29 = tpu.memref_squeeze %dma_start3A_28 : memref<1x79x128xi32, #tpu.memory_space<hbm>> -> memref<79x128xi32, #tpu.memory_space<hbm>>
      %dma_start3A_30 = arith.constant 0 : i32
      %dma_start3A_31 = arith.constant 0 : i32
      %dma_start3A_32 = tpu.memref_slice %arg3[%add3A, %dma_start3A_30, %dma_start3A_31] : memref<32x79x128xi32, #tpu.memory_space<hbm>> -> memref<1x79x128xi32, #tpu.memory_space<hbm>>
      %dma_start3A_33 = tpu.memref_squeeze %dma_start3A_32 : memref<1x79x128xi32, #tpu.memory_space<hbm>> -> memref<79x128xi32, #tpu.memory_space<hbm>>
      tpu.enqueue_dma source(%dma_start3A_33 : memref<79x128xi32, #tpu.memory_space<hbm>>) target(%arg6 : memref<79x128xi32, #tpu.memory_space<vmem>>) target_semaphore(%run_scoped3A : memref<!tpu.dma_semaphore, #tpu.memory_space<semaphore_mem>>)
      %dma_wait3A = arith.constant 0 : i32
      %dma_wait3A_34 = arith.constant 0 : i32
      %dma_wait3A_35 = tpu.memref_slice %arg3[%add3A, %dma_wait3A, %dma_wait3A_34] : memref<32x79x128xi32, #tpu.memory_space<hbm>> -> memref<1x79x128xi32, #tpu.memory_space<hbm>>
      %dma_wait3A_36 = tpu.memref_squeeze %dma_wait3A_35 : memref<1x79x128xi32, #tpu.memory_space<hbm>> -> memref<79x128xi32, #tpu.memory_space<hbm>>
      %dma_wait3A_37 = arith.constant 0 : i32
      %dma_wait3A_38 = arith.constant 0 : i32
      %dma_wait3A_39 = tpu.memref_slice %arg3[%add3A, %dma_wait3A_37, %dma_wait3A_38] : memref<32x79x128xi32, #tpu.memory_space<hbm>> -> memref<1x79x128xi32, #tpu.memory_space<hbm>>
      %dma_wait3A_40 = tpu.memref_squeeze %dma_wait3A_39 : memref<1x79x128xi32, #tpu.memory_space<hbm>> -> memref<79x128xi32, #tpu.memory_space<hbm>>
      tpu.wait_dma2 semaphore(%run_scoped3A : memref<!tpu.dma_semaphore, #tpu.memory_space<semaphore_mem>>) src(%dma_wait3A_40 : memref<79x128xi32, #tpu.memory_space<hbm>>) dst(%arg6 : memref<79x128xi32, #tpu.memory_space<vmem>>)
      tpu.yield
    }) : () -> ()
    "tpu.region"() ({
      %run_scoped3A = tpu.sem_alloc : memref<!tpu.dma_semaphore, #tpu.memory_space<semaphore_mem>>
      %dma_start3A_26 = arith.constant 0 : i32
      %dma_start3A_27 = arith.constant 0 : i32
      %dma_start3A_28 = tpu.memref_slice %arg4[%add3A, %dma_start3A_26, %dma_start3A_27] : memref<32x79x128xi32, #tpu.memory_space<hbm>> -> memref<1x79x128xi32, #tpu.memory_space<hbm>>
      %dma_start3A_29 = tpu.memref_squeeze %dma_start3A_28 : memref<1x79x128xi32, #tpu.memory_space<hbm>> -> memref<79x128xi32, #tpu.memory_space<hbm>>
      %dma_start3A_30 = arith.constant 0 : i32
      %dma_start3A_31 = arith.constant 0 : i32
      %dma_start3A_32 = tpu.memref_slice %arg4[%add3A, %dma_start3A_30, %dma_start3A_31] : memref<32x79x128xi32, #tpu.memory_space<hbm>> -> memref<1x79x128xi32, #tpu.memory_space<hbm>>
      %dma_start3A_33 = tpu.memref_squeeze %dma_start3A_32 : memref<1x79x128xi32, #tpu.memory_space<hbm>> -> memref<79x128xi32, #tpu.memory_space<hbm>>
      tpu.enqueue_dma source(%dma_start3A_33 : memref<79x128xi32, #tpu.memory_space<hbm>>) target(%arg7 : memref<79x128xi32, #tpu.memory_space<vmem>>) target_semaphore(%run_scoped3A : memref<!tpu.dma_semaphore, #tpu.memory_space<semaphore_mem>>)
      %dma_wait3A = arith.constant 0 : i32
      %dma_wait3A_34 = arith.constant 0 : i32
      %dma_wait3A_35 = tpu.memref_slice %arg4[%add3A, %dma_wait3A, %dma_wait3A_34] : memref<32x79x128xi32, #tpu.memory_space<hbm>> -> memref<1x79x128xi32, #tpu.memory_space<hbm>>
      %dma_wait3A_36 = tpu.memref_squeeze %dma_wait3A_35 : memref<1x79x128xi32, #tpu.memory_space<hbm>> -> memref<79x128xi32, #tpu.memory_space<hbm>>
      %dma_wait3A_37 = arith.constant 0 : i32
      %dma_wait3A_38 = arith.constant 0 : i32
      %dma_wait3A_39 = tpu.memref_slice %arg4[%add3A, %dma_wait3A_37, %dma_wait3A_38] : memref<32x79x128xi32, #tpu.memory_space<hbm>> -> memref<1x79x128xi32, #tpu.memory_space<hbm>>
      %dma_wait3A_40 = tpu.memref_squeeze %dma_wait3A_39 : memref<1x79x128xi32, #tpu.memory_space<hbm>> -> memref<79x128xi32, #tpu.memory_space<hbm>>
      tpu.wait_dma2 semaphore(%run_scoped3A : memref<!tpu.dma_semaphore, #tpu.memory_space<semaphore_mem>>) src(%dma_wait3A_40 : memref<79x128xi32, #tpu.memory_space<hbm>>) dst(%arg7 : memref<79x128xi32, #tpu.memory_space<vmem>>)
      tpu.yield
    }) : () -> ()
    %scan3A = arith.constant 0 : i32
    %scan3A_1 = arith.constant 40 : i32
    %scan3A_2 = arith.addi %scan3A, %scan3A_1 : i32
    %scan3A_3 = arith.constant 1 : i32
    scf.for %scan3A_26 = %scan3A to %scan3A_2 step %scan3A_3  : i32 {
      %broadcast_in_dim3A = arith.constant 0.000000e+00 : f32
      %broadcast_in_dim3A_27 = vector.broadcast %broadcast_in_dim3A : f32 to vector<16xf32>
      %mul3A_28 = arith.constant 16 : i32
      %mul3A_29 = arith.muli %scan3A_26, %mul3A_28 : i32
      %swap3A = arith.index_cast %mul3A_29 : i32 to index
      %swap3A_30 = tpu.vector_load %arg9[%swap3A] {strides = array<i32>} : memref<640xf32, #tpu.memory_space<vmem>>, vector<16xf32>,
      %swap3A_31 = vector.shape_cast %swap3A_30 : vector<16xf32> to vector<16xf32>
      %swap3A_32 = vector.shape_cast %broadcast_in_dim3A_27 : vector<16xf32> to vector<16xf32>
      tpu.vector_store %arg9[%swap3A], %swap3A_32 {strides = array<i32>} : memref<640xf32, #tpu.memory_space<vmem>>, vector<16xf32>,
    }
    %scan3A_4 = arith.constant 40 : i32
    %mul3A_5 = arith.constant 640 : i32
    %mul3A_6 = arith.muli %arg1, %mul3A_5 : i32
    "tpu.region"() ({
      %run_scoped3A = tpu.sem_alloc : memref<!tpu.dma_semaphore, #tpu.memory_space<semaphore_mem>>
      %dma_start3A_26 = tpu.memref_slice %arg11[%mul3A_6] : memref<10240xf32, #tpu.memory_space<vmem_shared>> -> memref<640xf32, #tpu.memory_space<vmem_shared>>
      %dma_start3A_27 = tpu.memref_slice %arg11[%mul3A_6] : memref<10240xf32, #tpu.memory_space<vmem_shared>> -> memref<640xf32, #tpu.memory_space<vmem_shared>>
      tpu.enqueue_dma source(%arg9 : memref<640xf32, #tpu.memory_space<vmem>>) target(%dma_start3A_27 : memref<640xf32, #tpu.memory_space<vmem_shared>>) target_semaphore(%run_scoped3A : memref<!tpu.dma_semaphore, #tpu.memory_space<semaphore_mem>>)
      %dma_wait3A = tpu.memref_slice %arg11[%mul3A_6] : memref<10240xf32, #tpu.memory_space<vmem_shared>> -> memref<640xf32, #tpu.memory_space<vmem_shared>>
      %dma_wait3A_28 = tpu.memref_slice %arg11[%mul3A_6] : memref<10240xf32, #tpu.memory_space<vmem_shared>> -> memref<640xf32, #tpu.memory_space<vmem_shared>>
      tpu.wait_dma2 semaphore(%run_scoped3A : memref<!tpu.dma_semaphore, #tpu.memory_space<semaphore_mem>>) src(%arg9 : memref<640xf32, #tpu.memory_space<vmem>>) dst(%dma_wait3A_28 : memref<640xf32, #tpu.memory_space<vmem_shared>>)
      tpu.yield
    }) : () -> ()
    %barrier3A = arith.constant 0 : index
    tpu.barrier barrier_id(%barrier3A)
    %dma_start3A = arith.constant 0 : i32
    %dma_start3A_7 = arith.constant 0 : i32
    %dma_start3A_8 = arith.constant 0 : i32
    %dma_start3A_9 = tpu.memref_slice %arg8[%dma_start3A_7, %dma_start3A_8] : memref<2x128xf32, #tpu.memory_space<vmem>> -> memref<1x128xf32, #tpu.memory_space<vmem>>
    %dma_start3A_10 = tpu.memref_squeeze %dma_start3A_9 : memref<1x128xf32, #tpu.memory_space<vmem>> -> memref<128xf32, #tpu.memory_space<vmem>>
    %dma_start3A_11 = arith.constant 0 : i32
    %dma_start3A_12 = tpu.memref_slice %arg6[%dma_start3A, %dma_start3A_11] : memref<79x128xi32, #tpu.memory_space<vmem>> -> memref<1x128xi32, #tpu.memory_space<vmem>>
    %dma_start3A_13 = tpu.memref_squeeze %dma_start3A_12 : memref<1x128xi32, #tpu.memory_space<vmem>> -> memref<128xi32, #tpu.memory_space<vmem>>
    %dma_start3A_14 = arith.constant 0 : i32
    %dma_start3A_15 = tpu.memref_slice %arg2[%dma_start3A_14] : memref<10000xf32, #tpu.memory_space<hbm>> -> memref<10000xf32, #tpu.memory_space<hbm>>
    tpu.enqueue_indirect_dma source(%dma_start3A_15 : memref<10000xf32, #tpu.memory_space<hbm>>) target(%dma_start3A_10 : memref<128xf32, #tpu.memory_space<vmem>>) offsets(%dma_start3A_13 : memref<128xi32, #tpu.memory_space<vmem>>) semaphore(%arg10 : memref<!tpu.dma_semaphore, #tpu.memory_space<semaphore_mem>>)
    %scan3A_16 = arith.constant 0 : i32
    %scan3A_17 = arith.constant 79 : i32
    %scan3A_18 = arith.addi %scan3A_16, %scan3A_17 : i32
    %scan3A_19 = arith.constant 1 : i32
    scf.for %scan3A_26 = %scan3A_16 to %scan3A_18 step %scan3A_19  : i32 {
      %rem3A = arith.constant 2 : i32
      %rem3A_27 = arith.remsi %scan3A_26, %rem3A : i32
      %dma_wait3A = arith.constant 0 : i32
      %dma_wait3A_28 = tpu.memref_slice %arg8[%rem3A_27, %dma_wait3A] : memref<2x128xf32, #tpu.memory_space<vmem>> -> memref<1x128xf32, #tpu.memory_space<vmem>>
      %dma_wait3A_29 = tpu.memref_squeeze %dma_wait3A_28 : memref<1x128xf32, #tpu.memory_space<vmem>> -> memref<128xf32, #tpu.memory_space<vmem>>
      %dma_wait3A_30 = arith.constant 0 : i32
      %dma_wait3A_31 = tpu.memref_slice %arg6[%scan3A_26, %dma_wait3A_30] : memref<79x128xi32, #tpu.memory_space<vmem>> -> memref<1x128xi32, #tpu.memory_space<vmem>>
      %dma_wait3A_32 = tpu.memref_squeeze %dma_wait3A_31 : memref<1x128xi32, #tpu.memory_space<vmem>> -> memref<128xi32, #tpu.memory_space<vmem>>
      %dma_wait3A_33 = arith.constant 0 : i32
      %dma_wait3A_34 = tpu.memref_slice %arg2[%dma_wait3A_33] : memref<10000xf32, #tpu.memory_space<hbm>> -> memref<10000xf32, #tpu.memory_space<hbm>>
      tpu.wait_indirect_dma semaphore(%arg10 : memref<!tpu.dma_semaphore, #tpu.memory_space<semaphore_mem>>) src(%dma_wait3A_34 : memref<10000xf32, #tpu.memory_space<hbm>>) dst(%dma_wait3A_29 : memref<128xf32, #tpu.memory_space<vmem>>)
      %add3A_35 = arith.constant 1 : i32
      %add3A_36 = arith.addi %scan3A_26, %add3A_35 : i32
      %lt3A = arith.constant 79 : i32
      %lt3A_37 = arith.cmpi slt, %add3A_36, %lt3A : i32
      %convert_element_type3A = arith.extui %lt3A_37 : i1 to i32
      %cond3A = arith.constant 0 : i32
      %cond3A_38 = arith.cmpi ne, %convert_element_type3A, %cond3A : i32
      scf.if %cond3A_38 {
        %add3A_39 = arith.constant 1 : i32
        %add3A_40 = arith.addi %scan3A_26, %add3A_39 : i32
        %sub3A = arith.constant 1 : i32
        %sub3A_41 = arith.subi %sub3A, %rem3A_27 : i32
        %dma_start3A_42 = arith.constant 0 : i32
        %dma_start3A_43 = tpu.memref_slice %arg8[%sub3A_41, %dma_start3A_42] : memref<2x128xf32, #tpu.memory_space<vmem>> -> memref<1x128xf32, #tpu.memory_space<vmem>>
        %dma_start3A_44 = tpu.memref_squeeze %dma_start3A_43 : memref<1x128xf32, #tpu.memory_space<vmem>> -> memref<128xf32, #tpu.memory_space<vmem>>
        %dma_start3A_45 = arith.constant 0 : i32
        %dma_start3A_46 = tpu.memref_slice %arg6[%add3A_40, %dma_start3A_45] : memref<79x128xi32, #tpu.memory_space<vmem>> -> memref<1x128xi32, #tpu.memory_space<vmem>>
        %dma_start3A_47 = tpu.memref_squeeze %dma_start3A_46 : memref<1x128xi32, #tpu.memory_space<vmem>> -> memref<128xi32, #tpu.memory_space<vmem>>
        %dma_start3A_48 = arith.constant 0 : i32
        %dma_start3A_49 = tpu.memref_slice %arg2[%dma_start3A_48] : memref<10000xf32, #tpu.memory_space<hbm>> -> memref<10000xf32, #tpu.memory_space<hbm>>
        tpu.enqueue_indirect_dma source(%dma_start3A_49 : memref<10000xf32, #tpu.memory_space<hbm>>) target(%dma_start3A_44 : memref<128xf32, #tpu.memory_space<vmem>>) offsets(%dma_start3A_47 : memref<128xi32, #tpu.memory_space<vmem>>) semaphore(%arg10 : memref<!tpu.dma_semaphore, #tpu.memory_space<semaphore_mem>>)
      } else {
      }
      "tpu.region"() ({
        %run_scoped3A = tpu.sem_alloc : memref<!tpu.dma_semaphore, #tpu.memory_space<semaphore_mem>>
        %dma_start3A_39 = arith.constant 0 : i32
        %dma_start3A_40 = tpu.memref_slice %arg8[%rem3A_27, %dma_start3A_39] : memref<2x128xf32, #tpu.memory_space<vmem>> -> memref<1x128xf32, #tpu.memory_space<vmem>>
        %dma_start3A_41 = tpu.memref_squeeze %dma_start3A_40 : memref<1x128xf32, #tpu.memory_space<vmem>> -> memref<128xf32, #tpu.memory_space<vmem>>
        %dma_start3A_42 = arith.constant 0 : i32
        %dma_start3A_43 = tpu.memref_slice %arg7[%scan3A_26, %dma_start3A_42] : memref<79x128xi32, #tpu.memory_space<vmem>> -> memref<1x128xi32, #tpu.memory_space<vmem>>
        %dma_start3A_44 = tpu.memref_squeeze %dma_start3A_43 : memref<1x128xi32, #tpu.memory_space<vmem>> -> memref<128xi32, #tpu.memory_space<vmem>>
        %dma_start3A_45 = arith.constant 0 : i32
        %dma_start3A_46 = tpu.memref_slice %arg11[%dma_start3A_45] : memref<10240xf32, #tpu.memory_space<vmem_shared>> -> memref<10240xf32, #tpu.memory_space<vmem_shared>>
        tpu.enqueue_indirect_dma source(%dma_start3A_41 : memref<128xf32, #tpu.memory_space<vmem>>) target(%dma_start3A_46 : memref<10240xf32, #tpu.memory_space<vmem_shared>>) offsets(%dma_start3A_44 : memref<128xi32, #tpu.memory_space<vmem>>) semaphore(%run_scoped3A : memref<!tpu.dma_semaphore, #tpu.memory_space<semaphore_mem>>) {add = true}
        %dma_wait3A_47 = arith.constant 0 : i32
        %dma_wait3A_48 = tpu.memref_slice %arg8[%rem3A_27, %dma_wait3A_47] : memref<2x128xf32, #tpu.memory_space<vmem>> -> memref<1x128xf32, #tpu.memory_space<vmem>>
        %dma_wait3A_49 = tpu.memref_squeeze %dma_wait3A_48 : memref<1x128xf32, #tpu.memory_space<vmem>> -> memref<128xf32, #tpu.memory_space<vmem>>
        %dma_wait3A_50 = arith.constant 0 : i32
        %dma_wait3A_51 = tpu.memref_slice %arg7[%scan3A_26, %dma_wait3A_50] : memref<79x128xi32, #tpu.memory_space<vmem>> -> memref<1x128xi32, #tpu.memory_space<vmem>>
        %dma_wait3A_52 = tpu.memref_squeeze %dma_wait3A_51 : memref<1x128xi32, #tpu.memory_space<vmem>> -> memref<128xi32, #tpu.memory_space<vmem>>
        %dma_wait3A_53 = arith.constant 0 : i32
        %dma_wait3A_54 = tpu.memref_slice %arg11[%dma_wait3A_53] : memref<10240xf32, #tpu.memory_space<vmem_shared>> -> memref<10240xf32, #tpu.memory_space<vmem_shared>>
        tpu.wait_indirect_dma semaphore(%run_scoped3A : memref<!tpu.dma_semaphore, #tpu.memory_space<semaphore_mem>>) src(%dma_wait3A_49 : memref<128xf32, #tpu.memory_space<vmem>>) dst(%dma_wait3A_54 : memref<10240xf32, #tpu.memory_space<vmem_shared>>)
        tpu.yield
      }) : () -> ()
    }
    %scan3A_20 = arith.constant 79 : i32
    %barrier3A_21 = arith.constant 0 : index
    tpu.barrier barrier_id(%barrier3A_21)
    %mul3A_22 = arith.constant 640 : i32
    %mul3A_23 = arith.muli %arg1, %mul3A_22 : i32
    %mul3A_24 = arith.constant 640 : i32
    %mul3A_25 = arith.muli %arg1, %mul3A_24 : i32
    "tpu.region"() ({
      %run_scoped3A = tpu.sem_alloc : memref<!tpu.dma_semaphore, #tpu.memory_space<semaphore_mem>>
      %dma_start3A_26 = tpu.memref_slice %arg5[%arg0, %mul3A_25] : memref<2x10240xf32, #tpu.memory_space<hbm>> -> memref<1x640xf32, #tpu.memory_space<hbm>>
      %dma_start3A_27 = tpu.memref_squeeze %dma_start3A_26 : memref<1x640xf32, #tpu.memory_space<hbm>> -> memref<640xf32, #tpu.memory_space<hbm>>
      %dma_start3A_28 = tpu.memref_slice %arg11[%mul3A_23] : memref<10240xf32, #tpu.memory_space<vmem_shared>> -> memref<640xf32, #tpu.memory_space<vmem_shared>>
      tpu.enqueue_dma source(%dma_start3A_28 : memref<640xf32, #tpu.memory_space<vmem_shared>>) target(%dma_start3A_27 : memref<640xf32, #tpu.memory_space<hbm>>) target_semaphore(%run_scoped3A : memref<!tpu.dma_semaphore, #tpu.memory_space<semaphore_mem>>)
      %dma_wait3A = tpu.memref_slice %arg5[%arg0, %mul3A_25] : memref<2x10240xf32, #tpu.memory_space<hbm>> -> memref<1x640xf32, #tpu.memory_space<hbm>>
      %dma_wait3A_29 = tpu.memref_squeeze %dma_wait3A : memref<1x640xf32, #tpu.memory_space<hbm>> -> memref<640xf32, #tpu.memory_space<hbm>>
      %dma_wait3A_30 = tpu.memref_slice %arg11[%mul3A_23] : memref<10240xf32, #tpu.memory_space<vmem_shared>> -> memref<640xf32, #tpu.memory_space<vmem_shared>>
      tpu.wait_dma2 semaphore(%run_scoped3A : memref<!tpu.dma_semaphore, #tpu.memory_space<semaphore_mem>>) src(%dma_wait3A_30 : memref<640xf32, #tpu.memory_space<vmem_shared>>) dst(%dma_wait3A_29 : memref<640xf32, #tpu.memory_space<hbm>>)
      tpu.yield
    }) : () -> ()
    return
  }
}

#map = affine_map<(d0, d1) -> (0, 0, 0)>
#map1 = affine_map<(d0, d1) -> (0)>
module attributes {stable_mosaic.version = 14 : i64} {
  func.func @_deg_kernel(%arg0: i32, %arg1: i32, %arg2: memref<16x157x128xi32, #tpu.memory_space<hbm>>, %arg3: memref<10240xf32, #tpu.memory_space<hbm>>, %arg4: memref<10240xf32, #tpu.memory_space<hbm>>, %arg5: memref<157x128xi32, #tpu.memory_space<vmem>>, %arg6: memref<128xf32, #tpu.memory_space<vmem>>, %arg7: memref<640xf32, #tpu.memory_space<vmem>>, %arg8: memref<10240xf32, #tpu.memory_space<vmem_shared>>) attributes {dimension_semantics = [#tpu.dimension_semantics<core_parallel>, #tpu.dimension_semantics<subcore_parallel>], iteration_bounds = array<i64: 2, 16>, scalar_prefetch = 0 : i64, scratch_operands = 4 : i64, tpu.core_type = #tpu.core_type<sc_vector_subcore>, window_params = [{transform_indices = #map}, {transform_indices = #map1}, {transform_indices = #map1}]} {
    "tpu.region"() ({
      %run_scoped3A = tpu.sem_alloc : memref<!tpu.dma_semaphore, #tpu.memory_space<semaphore_mem>>
      %dma_start3A = arith.constant 0 : i32
      %dma_start3A_71 = arith.constant 0 : i32
      %dma_start3A_72 = tpu.memref_slice %arg2[%arg1, %dma_start3A, %dma_start3A_71] : memref<16x157x128xi32, #tpu.memory_space<hbm>> -> memref<1x157x128xi32, #tpu.memory_space<hbm>>
      %dma_start3A_73 = tpu.memref_squeeze %dma_start3A_72 : memref<1x157x128xi32, #tpu.memory_space<hbm>> -> memref<157x128xi32, #tpu.memory_space<hbm>>
      %dma_start3A_74 = arith.constant 0 : i32
      %dma_start3A_75 = arith.constant 0 : i32
      %dma_start3A_76 = tpu.memref_slice %arg2[%arg1, %dma_start3A_74, %dma_start3A_75] : memref<16x157x128xi32, #tpu.memory_space<hbm>> -> memref<1x157x128xi32, #tpu.memory_space<hbm>>
      %dma_start3A_77 = tpu.memref_squeeze %dma_start3A_76 : memref<1x157x128xi32, #tpu.memory_space<hbm>> -> memref<157x128xi32, #tpu.memory_space<hbm>>
      tpu.enqueue_dma source(%dma_start3A_77 : memref<157x128xi32, #tpu.memory_space<hbm>>) target(%arg5 : memref<157x128xi32, #tpu.memory_space<vmem>>) target_semaphore(%run_scoped3A : memref<!tpu.dma_semaphore, #tpu.memory_space<semaphore_mem>>)
      %dma_wait3A = arith.constant 0 : i32
      %dma_wait3A_78 = arith.constant 0 : i32
      %dma_wait3A_79 = tpu.memref_slice %arg2[%arg1, %dma_wait3A, %dma_wait3A_78] : memref<16x157x128xi32, #tpu.memory_space<hbm>> -> memref<1x157x128xi32, #tpu.memory_space<hbm>>
      %dma_wait3A_80 = tpu.memref_squeeze %dma_wait3A_79 : memref<1x157x128xi32, #tpu.memory_space<hbm>> -> memref<157x128xi32, #tpu.memory_space<hbm>>
      %dma_wait3A_81 = arith.constant 0 : i32
      %dma_wait3A_82 = arith.constant 0 : i32
      %dma_wait3A_83 = tpu.memref_slice %arg2[%arg1, %dma_wait3A_81, %dma_wait3A_82] : memref<16x157x128xi32, #tpu.memory_space<hbm>> -> memref<1x157x128xi32, #tpu.memory_space<hbm>>
      %dma_wait3A_84 = tpu.memref_squeeze %dma_wait3A_83 : memref<1x157x128xi32, #tpu.memory_space<hbm>> -> memref<157x128xi32, #tpu.memory_space<hbm>>
      tpu.wait_dma2 semaphore(%run_scoped3A : memref<!tpu.dma_semaphore, #tpu.memory_space<semaphore_mem>>) src(%dma_wait3A_84 : memref<157x128xi32, #tpu.memory_space<hbm>>) dst(%arg5 : memref<157x128xi32, #tpu.memory_space<vmem>>)
      tpu.yield
    }) : () -> ()
    %broadcast_in_dim3A = arith.constant 1.000000e+00 : f32
    %broadcast_in_dim3A_0 = vector.broadcast %broadcast_in_dim3A : f32 to vector<16xf32>
    %swap3A = arith.constant 0 : index
    %swap3A_1 = tpu.vector_load %arg6[%swap3A] {strides = array<i32>} : memref<128xf32, #tpu.memory_space<vmem>>, vector<16xf32>,
    %swap3A_2 = vector.shape_cast %swap3A_1 : vector<16xf32> to vector<16xf32>
    %swap3A_3 = vector.shape_cast %broadcast_in_dim3A_0 : vector<16xf32> to vector<16xf32>
    tpu.vector_store %arg6[%swap3A], %swap3A_3 {strides = array<i32>} : memref<128xf32, #tpu.memory_space<vmem>>, vector<16xf32>,
    %broadcast_in_dim3A_4 = arith.constant 1.000000e+00 : f32
    %broadcast_in_dim3A_5 = vector.broadcast %broadcast_in_dim3A_4 : f32 to vector<16xf32>
    %swap3A_6 = arith.constant 16 : index
    %swap3A_7 = tpu.vector_load %arg6[%swap3A_6] {strides = array<i32>} : memref<128xf32, #tpu.memory_space<vmem>>, vector<16xf32>,
    %swap3A_8 = vector.shape_cast %swap3A_7 : vector<16xf32> to vector<16xf32>
    %swap3A_9 = vector.shape_cast %broadcast_in_dim3A_5 : vector<16xf32> to vector<16xf32>
    tpu.vector_store %arg6[%swap3A_6], %swap3A_9 {strides = array<i32>} : memref<128xf32, #tpu.memory_space<vmem>>, vector<16xf32>,
    %broadcast_in_dim3A_10 = arith.constant 1.000000e+00 : f32
    %broadcast_in_dim3A_11 = vector.broadcast %broadcast_in_dim3A_10 : f32 to vector<16xf32>
    %swap3A_12 = arith.constant 32 : index
    %swap3A_13 = tpu.vector_load %arg6[%swap3A_12] {strides = array<i32>} : memref<128xf32, #tpu.memory_space<vmem>>, vector<16xf32>,
    %swap3A_14 = vector.shape_cast %swap3A_13 : vector<16xf32> to vector<16xf32>
    %swap3A_15 = vector.shape_cast %broadcast_in_dim3A_11 : vector<16xf32> to vector<16xf32>
    tpu.vector_store %arg6[%swap3A_12], %swap3A_15 {strides = array<i32>} : memref<128xf32, #tpu.memory_space<vmem>>, vector<16xf32>,
    %broadcast_in_dim3A_16 = arith.constant 1.000000e+00 : f32
    %broadcast_in_dim3A_17 = vector.broadcast %broadcast_in_dim3A_16 : f32 to vector<16xf32>
    %swap3A_18 = arith.constant 48 : index
    %swap3A_19 = tpu.vector_load %arg6[%swap3A_18] {strides = array<i32>} : memref<128xf32, #tpu.memory_space<vmem>>, vector<16xf32>,
    %swap3A_20 = vector.shape_cast %swap3A_19 : vector<16xf32> to vector<16xf32>
    %swap3A_21 = vector.shape_cast %broadcast_in_dim3A_17 : vector<16xf32> to vector<16xf32>
    tpu.vector_store %arg6[%swap3A_18], %swap3A_21 {strides = array<i32>} : memref<128xf32, #tpu.memory_space<vmem>>, vector<16xf32>,
    %broadcast_in_dim3A_22 = arith.constant 1.000000e+00 : f32
    %broadcast_in_dim3A_23 = vector.broadcast %broadcast_in_dim3A_22 : f32 to vector<16xf32>
    %swap3A_24 = arith.constant 64 : index
    %swap3A_25 = tpu.vector_load %arg6[%swap3A_24] {strides = array<i32>} : memref<128xf32, #tpu.memory_space<vmem>>, vector<16xf32>,
    %swap3A_26 = vector.shape_cast %swap3A_25 : vector<16xf32> to vector<16xf32>
    %swap3A_27 = vector.shape_cast %broadcast_in_dim3A_23 : vector<16xf32> to vector<16xf32>
    tpu.vector_store %arg6[%swap3A_24], %swap3A_27 {strides = array<i32>} : memref<128xf32, #tpu.memory_space<vmem>>, vector<16xf32>,
    %broadcast_in_dim3A_28 = arith.constant 1.000000e+00 : f32
    %broadcast_in_dim3A_29 = vector.broadcast %broadcast_in_dim3A_28 : f32 to vector<16xf32>
    %swap3A_30 = arith.constant 80 : index
    %swap3A_31 = tpu.vector_load %arg6[%swap3A_30] {strides = array<i32>} : memref<128xf32, #tpu.memory_space<vmem>>, vector<16xf32>,
    %swap3A_32 = vector.shape_cast %swap3A_31 : vector<16xf32> to vector<16xf32>
    %swap3A_33 = vector.shape_cast %broadcast_in_dim3A_29 : vector<16xf32> to vector<16xf32>
    tpu.vector_store %arg6[%swap3A_30], %swap3A_33 {strides = array<i32>} : memref<128xf32, #tpu.memory_space<vmem>>, vector<16xf32>,
    %broadcast_in_dim3A_34 = arith.constant 1.000000e+00 : f32
    %broadcast_in_dim3A_35 = vector.broadcast %broadcast_in_dim3A_34 : f32 to vector<16xf32>
    %swap3A_36 = arith.constant 96 : index
    %swap3A_37 = tpu.vector_load %arg6[%swap3A_36] {strides = array<i32>} : memref<128xf32, #tpu.memory_space<vmem>>, vector<16xf32>,
    %swap3A_38 = vector.shape_cast %swap3A_37 : vector<16xf32> to vector<16xf32>
    %swap3A_39 = vector.shape_cast %broadcast_in_dim3A_35 : vector<16xf32> to vector<16xf32>
    tpu.vector_store %arg6[%swap3A_36], %swap3A_39 {strides = array<i32>} : memref<128xf32, #tpu.memory_space<vmem>>, vector<16xf32>,
    %broadcast_in_dim3A_40 = arith.constant 1.000000e+00 : f32
    %broadcast_in_dim3A_41 = vector.broadcast %broadcast_in_dim3A_40 : f32 to vector<16xf32>
    %swap3A_42 = arith.constant 112 : index
    %swap3A_43 = tpu.vector_load %arg6[%swap3A_42] {strides = array<i32>} : memref<128xf32, #tpu.memory_space<vmem>>, vector<16xf32>,
    %swap3A_44 = vector.shape_cast %swap3A_43 : vector<16xf32> to vector<16xf32>
    %swap3A_45 = vector.shape_cast %broadcast_in_dim3A_41 : vector<16xf32> to vector<16xf32>
    tpu.vector_store %arg6[%swap3A_42], %swap3A_45 {strides = array<i32>} : memref<128xf32, #tpu.memory_space<vmem>>, vector<16xf32>,
    %scan3A = arith.constant 0 : i32
    %scan3A_46 = arith.constant 40 : i32
    %scan3A_47 = arith.addi %scan3A, %scan3A_46 : i32
    %scan3A_48 = arith.constant 1 : i32
    scf.for %scan3A_71 = %scan3A to %scan3A_47 step %scan3A_48  : i32 {
      %broadcast_in_dim3A_72 = arith.constant 0.000000e+00 : f32
      %broadcast_in_dim3A_73 = vector.broadcast %broadcast_in_dim3A_72 : f32 to vector<16xf32>
      %mul3A_74 = arith.constant 16 : i32
      %mul3A_75 = arith.muli %scan3A_71, %mul3A_74 : i32
      %swap3A_76 = arith.index_cast %mul3A_75 : i32 to index
      %swap3A_77 = tpu.vector_load %arg7[%swap3A_76] {strides = array<i32>} : memref<640xf32, #tpu.memory_space<vmem>>, vector<16xf32>,
      %swap3A_78 = vector.shape_cast %swap3A_77 : vector<16xf32> to vector<16xf32>
      %swap3A_79 = vector.shape_cast %broadcast_in_dim3A_73 : vector<16xf32> to vector<16xf32>
      tpu.vector_store %arg7[%swap3A_76], %swap3A_79 {strides = array<i32>} : memref<640xf32, #tpu.memory_space<vmem>>, vector<16xf32>,
    }
    %scan3A_49 = arith.constant 40 : i32
    %mul3A = arith.constant 640 : i32
    %mul3A_50 = arith.muli %arg1, %mul3A : i32
    "tpu.region"() ({
      %run_scoped3A = tpu.sem_alloc : memref<!tpu.dma_semaphore, #tpu.memory_space<semaphore_mem>>
      %dma_start3A = tpu.memref_slice %arg8[%mul3A_50] : memref<10240xf32, #tpu.memory_space<vmem_shared>> -> memref<640xf32, #tpu.memory_space<vmem_shared>>
      %dma_start3A_71 = tpu.memref_slice %arg8[%mul3A_50] : memref<10240xf32, #tpu.memory_space<vmem_shared>> -> memref<640xf32, #tpu.memory_space<vmem_shared>>
      tpu.enqueue_dma source(%arg7 : memref<640xf32, #tpu.memory_space<vmem>>) target(%dma_start3A_71 : memref<640xf32, #tpu.memory_space<vmem_shared>>) target_semaphore(%run_scoped3A : memref<!tpu.dma_semaphore, #tpu.memory_space<semaphore_mem>>)
      %dma_wait3A = tpu.memref_slice %arg8[%mul3A_50] : memref<10240xf32, #tpu.memory_space<vmem_shared>> -> memref<640xf32, #tpu.memory_space<vmem_shared>>
      %dma_wait3A_72 = tpu.memref_slice %arg8[%mul3A_50] : memref<10240xf32, #tpu.memory_space<vmem_shared>> -> memref<640xf32, #tpu.memory_space<vmem_shared>>
      tpu.wait_dma2 semaphore(%run_scoped3A : memref<!tpu.dma_semaphore, #tpu.memory_space<semaphore_mem>>) src(%arg7 : memref<640xf32, #tpu.memory_space<vmem>>) dst(%dma_wait3A_72 : memref<640xf32, #tpu.memory_space<vmem_shared>>)
      tpu.yield
    }) : () -> ()
    %barrier3A = arith.constant 0 : index
    tpu.barrier barrier_id(%barrier3A)
    %scan3A_51 = arith.constant 0 : i32
    %scan3A_52 = arith.constant 157 : i32
    %scan3A_53 = arith.addi %scan3A_51, %scan3A_52 : i32
    %scan3A_54 = arith.constant 1 : i32
    scf.for %scan3A_71 = %scan3A_51 to %scan3A_53 step %scan3A_54  : i32 {
      "tpu.region"() ({
        %run_scoped3A = tpu.sem_alloc : memref<!tpu.dma_semaphore, #tpu.memory_space<semaphore_mem>>
        %dma_start3A = arith.constant 0 : i32
        %dma_start3A_72 = tpu.memref_slice %arg5[%scan3A_71, %dma_start3A] : memref<157x128xi32, #tpu.memory_space<vmem>> -> memref<1x128xi32, #tpu.memory_space<vmem>>
        %dma_start3A_73 = tpu.memref_squeeze %dma_start3A_72 : memref<1x128xi32, #tpu.memory_space<vmem>> -> memref<128xi32, #tpu.memory_space<vmem>>
        %dma_start3A_74 = arith.constant 0 : i32
        %dma_start3A_75 = tpu.memref_slice %arg8[%dma_start3A_74] : memref<10240xf32, #tpu.memory_space<vmem_shared>> -> memref<10240xf32, #tpu.memory_space<vmem_shared>>
        tpu.enqueue_indirect_dma source(%arg6 : memref<128xf32, #tpu.memory_space<vmem>>) target(%dma_start3A_75 : memref<10240xf32, #tpu.memory_space<vmem_shared>>) offsets(%dma_start3A_73 : memref<128xi32, #tpu.memory_space<vmem>>) semaphore(%run_scoped3A : memref<!tpu.dma_semaphore, #tpu.memory_space<semaphore_mem>>) {add = true}
        %dma_wait3A = arith.constant 0 : i32
        %dma_wait3A_76 = tpu.memref_slice %arg5[%scan3A_71, %dma_wait3A] : memref<157x128xi32, #tpu.memory_space<vmem>> -> memref<1x128xi32, #tpu.memory_space<vmem>>
        %dma_wait3A_77 = tpu.memref_squeeze %dma_wait3A_76 : memref<1x128xi32, #tpu.memory_space<vmem>> -> memref<128xi32, #tpu.memory_space<vmem>>
        %dma_wait3A_78 = arith.constant 0 : i32
        %dma_wait3A_79 = tpu.memref_slice %arg8[%dma_wait3A_78] : memref<10240xf32, #tpu.memory_space<vmem_shared>> -> memref<10240xf32, #tpu.memory_space<vmem_shared>>
        tpu.wait_indirect_dma semaphore(%run_scoped3A : memref<!tpu.dma_semaphore, #tpu.memory_space<semaphore_mem>>) src(%arg6 : memref<128xf32, #tpu.memory_space<vmem>>) dst(%dma_wait3A_79 : memref<10240xf32, #tpu.memory_space<vmem_shared>>)
        tpu.yield
      }) : () -> ()
    }
    %scan3A_55 = arith.constant 157 : i32
    %barrier3A_56 = arith.constant 0 : index
    tpu.barrier barrier_id(%barrier3A_56)
    %mul3A_57 = arith.constant 640 : i32
    %mul3A_58 = arith.muli %arg1, %mul3A_57 : i32
    "tpu.region"() ({
      %run_scoped3A = tpu.sem_alloc : memref<!tpu.dma_semaphore, #tpu.memory_space<semaphore_mem>>
      %dma_start3A = tpu.memref_slice %arg8[%mul3A_58] : memref<10240xf32, #tpu.memory_space<vmem_shared>> -> memref<640xf32, #tpu.memory_space<vmem_shared>>
      %dma_start3A_71 = tpu.memref_slice %arg8[%mul3A_58] : memref<10240xf32, #tpu.memory_space<vmem_shared>> -> memref<640xf32, #tpu.memory_space<vmem_shared>>
      tpu.enqueue_dma source(%dma_start3A_71 : memref<640xf32, #tpu.memory_space<vmem_shared>>) target(%arg7 : memref<640xf32, #tpu.memory_space<vmem>>) target_semaphore(%run_scoped3A : memref<!tpu.dma_semaphore, #tpu.memory_space<semaphore_mem>>)
      %dma_wait3A = tpu.memref_slice %arg8[%mul3A_58] : memref<10240xf32, #tpu.memory_space<vmem_shared>> -> memref<640xf32, #tpu.memory_space<vmem_shared>>
      %dma_wait3A_72 = tpu.memref_slice %arg8[%mul3A_58] : memref<10240xf32, #tpu.memory_space<vmem_shared>> -> memref<640xf32, #tpu.memory_space<vmem_shared>>
      tpu.wait_dma2 semaphore(%run_scoped3A : memref<!tpu.dma_semaphore, #tpu.memory_space<semaphore_mem>>) src(%dma_wait3A_72 : memref<640xf32, #tpu.memory_space<vmem_shared>>) dst(%arg7 : memref<640xf32, #tpu.memory_space<vmem>>)
      tpu.yield
    }) : () -> ()
    %eq3A = arith.constant 0 : i32
    %eq3A_59 = arith.cmpi eq, %arg0, %eq3A : i32
    %convert_element_type3A = arith.extui %eq3A_59 : i1 to i32
    %cond3A = arith.constant 0 : i32
    %cond3A_60 = arith.cmpi ne, %convert_element_type3A, %cond3A : i32
    scf.if %cond3A_60 {
      %mul3A_71 = arith.constant 640 : i32
      %mul3A_72 = arith.muli %arg1, %mul3A_71 : i32
      "tpu.region"() ({
        %run_scoped3A = tpu.sem_alloc : memref<!tpu.dma_semaphore, #tpu.memory_space<semaphore_mem>>
        %dma_start3A = tpu.memref_slice %arg4[%mul3A_72] : memref<10240xf32, #tpu.memory_space<hbm>> -> memref<640xf32, #tpu.memory_space<hbm>>
        %dma_start3A_73 = tpu.memref_slice %arg4[%mul3A_72] : memref<10240xf32, #tpu.memory_space<hbm>> -> memref<640xf32, #tpu.memory_space<hbm>>
        tpu.enqueue_dma source(%arg7 : memref<640xf32, #tpu.memory_space<vmem>>) target(%dma_start3A_73 : memref<640xf32, #tpu.memory_space<hbm>>) target_semaphore(%run_scoped3A : memref<!tpu.dma_semaphore, #tpu.memory_space<semaphore_mem>>)
        %dma_wait3A = tpu.memref_slice %arg4[%mul3A_72] : memref<10240xf32, #tpu.memory_space<hbm>> -> memref<640xf32, #tpu.memory_space<hbm>>
        %dma_wait3A_74 = tpu.memref_slice %arg4[%mul3A_72] : memref<10240xf32, #tpu.memory_space<hbm>> -> memref<640xf32, #tpu.memory_space<hbm>>
        tpu.wait_dma2 semaphore(%run_scoped3A : memref<!tpu.dma_semaphore, #tpu.memory_space<semaphore_mem>>) src(%arg7 : memref<640xf32, #tpu.memory_space<vmem>>) dst(%dma_wait3A_74 : memref<640xf32, #tpu.memory_space<hbm>>)
        tpu.yield
      }) : () -> ()
    } else {
    }
    %scan3A_61 = arith.constant 0 : i32
    %scan3A_62 = arith.constant 40 : i32
    %scan3A_63 = arith.addi %scan3A_61, %scan3A_62 : i32
    %scan3A_64 = arith.constant 1 : i32
    scf.for %scan3A_71 = %scan3A_61 to %scan3A_63 step %scan3A_64  : i32 {
      %mul3A_72 = arith.constant 16 : i32
      %mul3A_73 = arith.muli %scan3A_71, %mul3A_72 : i32
      %get3A = arith.index_cast %mul3A_73 : i32 to index
      %get3A_74 = tpu.vector_load %arg7[%get3A] {strides = array<i32>} : memref<640xf32, #tpu.memory_space<vmem>>, vector<16xf32>,
      %get3A_75 = vector.shape_cast %get3A_74 : vector<16xf32> to vector<16xf32>
      %max3A = arith.constant 1.000000e+00 : f32
      %max3A_76 = vector.broadcast %max3A : f32 to vector<16xf32>
      %max3A_77 = arith.maximumf %get3A_75, %max3A_76 : vector<16xf32>
      %div3A = arith.constant 1.000000e+00 : f32
      %div3A_78 = vector.broadcast %div3A : f32 to vector<16xf32>
      %div3A_79 = arith.divf %div3A_78, %max3A_77 : vector<16xf32>
      %mul3A_80 = arith.constant 16 : i32
      %mul3A_81 = arith.muli %scan3A_71, %mul3A_80 : i32
      %swap3A_82 = arith.index_cast %mul3A_81 : i32 to index
      %swap3A_83 = tpu.vector_load %arg7[%swap3A_82] {strides = array<i32>} : memref<640xf32, #tpu.memory_space<vmem>>, vector<16xf32>,
      %swap3A_84 = vector.shape_cast %swap3A_83 : vector<16xf32> to vector<16xf32>
      %swap3A_85 = vector.shape_cast %div3A_79 : vector<16xf32> to vector<16xf32>
      tpu.vector_store %arg7[%swap3A_82], %swap3A_85 {strides = array<i32>} : memref<640xf32, #tpu.memory_space<vmem>>, vector<16xf32>,
    }
    %scan3A_65 = arith.constant 40 : i32
    %eq3A_66 = arith.constant 0 : i32
    %eq3A_67 = arith.cmpi eq, %arg0, %eq3A_66 : i32
    %convert_element_type3A_68 = arith.extui %eq3A_67 : i1 to i32
    %cond3A_69 = arith.constant 0 : i32
    %cond3A_70 = arith.cmpi ne, %convert_element_type3A_68, %cond3A_69 : i32
    scf.if %cond3A_70 {
      %mul3A_71 = arith.constant 640 : i32
      %mul3A_72 = arith.muli %arg1, %mul3A_71 : i32
      "tpu.region"() ({
        %run_scoped3A = tpu.sem_alloc : memref<!tpu.dma_semaphore, #tpu.memory_space<semaphore_mem>>
        %dma_start3A = tpu.memref_slice %arg3[%mul3A_72] : memref<10240xf32, #tpu.memory_space<hbm>> -> memref<640xf32, #tpu.memory_space<hbm>>
        %dma_start3A_73 = tpu.memref_slice %arg3[%mul3A_72] : memref<10240xf32, #tpu.memory_space<hbm>> -> memref<640xf32, #tpu.memory_space<hbm>>
        tpu.enqueue_dma source(%arg7 : memref<640xf32, #tpu.memory_space<vmem>>) target(%dma_start3A_73 : memref<640xf32, #tpu.memory_space<hbm>>) target_semaphore(%run_scoped3A : memref<!tpu.dma_semaphore, #tpu.memory_space<semaphore_mem>>)
        %dma_wait3A = tpu.memref_slice %arg3[%mul3A_72] : memref<10240xf32, #tpu.memory_space<hbm>> -> memref<640xf32, #tpu.memory_space<hbm>>
        %dma_wait3A_74 = tpu.memref_slice %arg3[%mul3A_72] : memref<10240xf32, #tpu.memory_space<hbm>> -> memref<640xf32, #tpu.memory_space<hbm>>
        tpu.wait_dma2 semaphore(%run_scoped3A : memref<!tpu.dma_semaphore, #tpu.memory_space<semaphore_mem>>) src(%arg7 : memref<640xf32, #tpu.memory_space<vmem>>) dst(%dma_wait3A_74 : memref<640xf32, #tpu.memory_space<hbm>>)
        tpu.yield
      }) : () -> ()
    } else {
    }
    return
  }
}

#map = affine_map<(d0, d1) -> (0, 0)>
#map1 = affine_map<(d0, d1) -> (0, 0, 0)>
module attributes {stable_mosaic.version = 14 : i64} {
  func.func @_agg_kernel(%arg0: i32, %arg1: i32, %arg2: memref<10000x128xf32, #tpu.memory_space<hbm>>, %arg3: memref<32x79x128xi32, #tpu.memory_space<hbm>>, %arg4: memref<32x79x128xi32, #tpu.memory_space<hbm>>, %arg5: memref<2x10240x128xf32, #tpu.memory_space<hbm>>, %arg6: memref<79x128xi32, #tpu.memory_space<vmem>>, %arg7: memref<79x128xi32, #tpu.memory_space<vmem>>, %arg8: memref<128x128xf32, #tpu.memory_space<vmem>>, %arg9: memref<10240x128xf32, #tpu.memory_space<vmem_shared>>) attributes {dimension_semantics = [#tpu.dimension_semantics<core_parallel>, #tpu.dimension_semantics<subcore_parallel>], iteration_bounds = array<i64: 2, 16>, scalar_prefetch = 0 : i64, scratch_operands = 4 : i64, tpu.core_type = #tpu.core_type<sc_vector_subcore>, window_params = [{transform_indices = #map}, {transform_indices = #map1}, {transform_indices = #map1}, {transform_indices = #map1}]} {
    %mul3A = arith.constant 2 : i32
    %mul3A_0 = arith.muli %arg1, %mul3A : i32
    %add3A = arith.addi %mul3A_0, %arg0 : i32
    "tpu.region"() ({
      %run_scoped3A = tpu.sem_alloc : memref<!tpu.dma_semaphore, #tpu.memory_space<semaphore_mem>>
      %dma_start3A = arith.constant 0 : i32
      %dma_start3A_20 = arith.constant 0 : i32
      %dma_start3A_21 = tpu.memref_slice %arg3[%add3A, %dma_start3A, %dma_start3A_20] : memref<32x79x128xi32, #tpu.memory_space<hbm>> -> memref<1x79x128xi32, #tpu.memory_space<hbm>>
      %dma_start3A_22 = tpu.memref_squeeze %dma_start3A_21 : memref<1x79x128xi32, #tpu.memory_space<hbm>> -> memref<79x128xi32, #tpu.memory_space<hbm>>
      %dma_start3A_23 = arith.constant 0 : i32
      %dma_start3A_24 = arith.constant 0 : i32
      %dma_start3A_25 = tpu.memref_slice %arg3[%add3A, %dma_start3A_23, %dma_start3A_24] : memref<32x79x128xi32, #tpu.memory_space<hbm>> -> memref<1x79x128xi32, #tpu.memory_space<hbm>>
      %dma_start3A_26 = tpu.memref_squeeze %dma_start3A_25 : memref<1x79x128xi32, #tpu.memory_space<hbm>> -> memref<79x128xi32, #tpu.memory_space<hbm>>
      tpu.enqueue_dma source(%dma_start3A_26 : memref<79x128xi32, #tpu.memory_space<hbm>>) target(%arg6 : memref<79x128xi32, #tpu.memory_space<vmem>>) target_semaphore(%run_scoped3A : memref<!tpu.dma_semaphore, #tpu.memory_space<semaphore_mem>>)
      %dma_wait3A = arith.constant 0 : i32
      %dma_wait3A_27 = arith.constant 0 : i32
      %dma_wait3A_28 = tpu.memref_slice %arg3[%add3A, %dma_wait3A, %dma_wait3A_27] : memref<32x79x128xi32, #tpu.memory_space<hbm>> -> memref<1x79x128xi32, #tpu.memory_space<hbm>>
      %dma_wait3A_29 = tpu.memref_squeeze %dma_wait3A_28 : memref<1x79x128xi32, #tpu.memory_space<hbm>> -> memref<79x128xi32, #tpu.memory_space<hbm>>
      %dma_wait3A_30 = arith.constant 0 : i32
      %dma_wait3A_31 = arith.constant 0 : i32
      %dma_wait3A_32 = tpu.memref_slice %arg3[%add3A, %dma_wait3A_30, %dma_wait3A_31] : memref<32x79x128xi32, #tpu.memory_space<hbm>> -> memref<1x79x128xi32, #tpu.memory_space<hbm>>
      %dma_wait3A_33 = tpu.memref_squeeze %dma_wait3A_32 : memref<1x79x128xi32, #tpu.memory_space<hbm>> -> memref<79x128xi32, #tpu.memory_space<hbm>>
      tpu.wait_dma2 semaphore(%run_scoped3A : memref<!tpu.dma_semaphore, #tpu.memory_space<semaphore_mem>>) src(%dma_wait3A_33 : memref<79x128xi32, #tpu.memory_space<hbm>>) dst(%arg6 : memref<79x128xi32, #tpu.memory_space<vmem>>)
      tpu.yield
    }) : () -> ()
    "tpu.region"() ({
      %run_scoped3A = tpu.sem_alloc : memref<!tpu.dma_semaphore, #tpu.memory_space<semaphore_mem>>
      %dma_start3A = arith.constant 0 : i32
      %dma_start3A_20 = arith.constant 0 : i32
      %dma_start3A_21 = tpu.memref_slice %arg4[%add3A, %dma_start3A, %dma_start3A_20] : memref<32x79x128xi32, #tpu.memory_space<hbm>> -> memref<1x79x128xi32, #tpu.memory_space<hbm>>
      %dma_start3A_22 = tpu.memref_squeeze %dma_start3A_21 : memref<1x79x128xi32, #tpu.memory_space<hbm>> -> memref<79x128xi32, #tpu.memory_space<hbm>>
      %dma_start3A_23 = arith.constant 0 : i32
      %dma_start3A_24 = arith.constant 0 : i32
      %dma_start3A_25 = tpu.memref_slice %arg4[%add3A, %dma_start3A_23, %dma_start3A_24] : memref<32x79x128xi32, #tpu.memory_space<hbm>> -> memref<1x79x128xi32, #tpu.memory_space<hbm>>
      %dma_start3A_26 = tpu.memref_squeeze %dma_start3A_25 : memref<1x79x128xi32, #tpu.memory_space<hbm>> -> memref<79x128xi32, #tpu.memory_space<hbm>>
      tpu.enqueue_dma source(%dma_start3A_26 : memref<79x128xi32, #tpu.memory_space<hbm>>) target(%arg7 : memref<79x128xi32, #tpu.memory_space<vmem>>) target_semaphore(%run_scoped3A : memref<!tpu.dma_semaphore, #tpu.memory_space<semaphore_mem>>)
      %dma_wait3A = arith.constant 0 : i32
      %dma_wait3A_27 = arith.constant 0 : i32
      %dma_wait3A_28 = tpu.memref_slice %arg4[%add3A, %dma_wait3A, %dma_wait3A_27] : memref<32x79x128xi32, #tpu.memory_space<hbm>> -> memref<1x79x128xi32, #tpu.memory_space<hbm>>
      %dma_wait3A_29 = tpu.memref_squeeze %dma_wait3A_28 : memref<1x79x128xi32, #tpu.memory_space<hbm>> -> memref<79x128xi32, #tpu.memory_space<hbm>>
      %dma_wait3A_30 = arith.constant 0 : i32
      %dma_wait3A_31 = arith.constant 0 : i32
      %dma_wait3A_32 = tpu.memref_slice %arg4[%add3A, %dma_wait3A_30, %dma_wait3A_31] : memref<32x79x128xi32, #tpu.memory_space<hbm>> -> memref<1x79x128xi32, #tpu.memory_space<hbm>>
      %dma_wait3A_33 = tpu.memref_squeeze %dma_wait3A_32 : memref<1x79x128xi32, #tpu.memory_space<hbm>> -> memref<79x128xi32, #tpu.memory_space<hbm>>
      tpu.wait_dma2 semaphore(%run_scoped3A : memref<!tpu.dma_semaphore, #tpu.memory_space<semaphore_mem>>) src(%dma_wait3A_33 : memref<79x128xi32, #tpu.memory_space<hbm>>) dst(%arg7 : memref<79x128xi32, #tpu.memory_space<vmem>>)
      tpu.yield
    }) : () -> ()
    %scan3A = arith.constant 0 : i32
    %scan3A_1 = arith.constant 128 : i32
    %scan3A_2 = arith.addi %scan3A, %scan3A_1 : i32
    %scan3A_3 = arith.constant 1 : i32
    scf.for %scan3A_20 = %scan3A to %scan3A_2 step %scan3A_3  : i32 {
      %broadcast_in_dim3A = arith.constant 0.000000e+00 : f32
      %broadcast_in_dim3A_21 = vector.broadcast %broadcast_in_dim3A : f32 to vector<16xf32>
      %swap3A = arith.index_cast %scan3A_20 : i32 to index
      %swap3A_22 = arith.constant 0 : index
      %swap3A_23 = tpu.vector_load %arg8[%swap3A, %swap3A_22] {strides = array<i32>} : memref<128x128xf32, #tpu.memory_space<vmem>>, vector<1x16xf32>,
      %swap3A_24 = vector.shape_cast %swap3A_23 : vector<1x16xf32> to vector<16xf32>
      %swap3A_25 = vector.shape_cast %broadcast_in_dim3A_21 : vector<16xf32> to vector<1x16xf32>
      tpu.vector_store %arg8[%swap3A, %swap3A_22], %swap3A_25 {strides = array<i32>} : memref<128x128xf32, #tpu.memory_space<vmem>>, vector<1x16xf32>,
      %broadcast_in_dim3A_26 = arith.constant 0.000000e+00 : f32
      %broadcast_in_dim3A_27 = vector.broadcast %broadcast_in_dim3A_26 : f32 to vector<16xf32>
      %swap3A_28 = arith.index_cast %scan3A_20 : i32 to index
      %swap3A_29 = arith.constant 16 : index
      %swap3A_30 = tpu.vector_load %arg8[%swap3A_28, %swap3A_29] {strides = array<i32>} : memref<128x128xf32, #tpu.memory_space<vmem>>, vector<1x16xf32>,
      %swap3A_31 = vector.shape_cast %swap3A_30 : vector<1x16xf32> to vector<16xf32>
      %swap3A_32 = vector.shape_cast %broadcast_in_dim3A_27 : vector<16xf32> to vector<1x16xf32>
      tpu.vector_store %arg8[%swap3A_28, %swap3A_29], %swap3A_32 {strides = array<i32>} : memref<128x128xf32, #tpu.memory_space<vmem>>, vector<1x16xf32>,
      %broadcast_in_dim3A_33 = arith.constant 0.000000e+00 : f32
      %broadcast_in_dim3A_34 = vector.broadcast %broadcast_in_dim3A_33 : f32 to vector<16xf32>
      %swap3A_35 = arith.index_cast %scan3A_20 : i32 to index
      %swap3A_36 = arith.constant 32 : index
      %swap3A_37 = tpu.vector_load %arg8[%swap3A_35, %swap3A_36] {strides = array<i32>} : memref<128x128xf32, #tpu.memory_space<vmem>>, vector<1x16xf32>,
      %swap3A_38 = vector.shape_cast %swap3A_37 : vector<1x16xf32> to vector<16xf32>
      %swap3A_39 = vector.shape_cast %broadcast_in_dim3A_34 : vector<16xf32> to vector<1x16xf32>
      tpu.vector_store %arg8[%swap3A_35, %swap3A_36], %swap3A_39 {strides = array<i32>} : memref<128x128xf32, #tpu.memory_space<vmem>>, vector<1x16xf32>,
      %broadcast_in_dim3A_40 = arith.constant 0.000000e+00 : f32
      %broadcast_in_dim3A_41 = vector.broadcast %broadcast_in_dim3A_40 : f32 to vector<16xf32>
      %swap3A_42 = arith.index_cast %scan3A_20 : i32 to index
      %swap3A_43 = arith.constant 48 : index
      %swap3A_44 = tpu.vector_load %arg8[%swap3A_42, %swap3A_43] {strides = array<i32>} : memref<128x128xf32, #tpu.memory_space<vmem>>, vector<1x16xf32>,
      %swap3A_45 = vector.shape_cast %swap3A_44 : vector<1x16xf32> to vector<16xf32>
      %swap3A_46 = vector.shape_cast %broadcast_in_dim3A_41 : vector<16xf32> to vector<1x16xf32>
      tpu.vector_store %arg8[%swap3A_42, %swap3A_43], %swap3A_46 {strides = array<i32>} : memref<128x128xf32, #tpu.memory_space<vmem>>, vector<1x16xf32>,
      %broadcast_in_dim3A_47 = arith.constant 0.000000e+00 : f32
      %broadcast_in_dim3A_48 = vector.broadcast %broadcast_in_dim3A_47 : f32 to vector<16xf32>
      %swap3A_49 = arith.index_cast %scan3A_20 : i32 to index
      %swap3A_50 = arith.constant 64 : index
      %swap3A_51 = tpu.vector_load %arg8[%swap3A_49, %swap3A_50] {strides = array<i32>} : memref<128x128xf32, #tpu.memory_space<vmem>>, vector<1x16xf32>,
      %swap3A_52 = vector.shape_cast %swap3A_51 : vector<1x16xf32> to vector<16xf32>
      %swap3A_53 = vector.shape_cast %broadcast_in_dim3A_48 : vector<16xf32> to vector<1x16xf32>
      tpu.vector_store %arg8[%swap3A_49, %swap3A_50], %swap3A_53 {strides = array<i32>} : memref<128x128xf32, #tpu.memory_space<vmem>>, vector<1x16xf32>,
      %broadcast_in_dim3A_54 = arith.constant 0.000000e+00 : f32
      %broadcast_in_dim3A_55 = vector.broadcast %broadcast_in_dim3A_54 : f32 to vector<16xf32>
      %swap3A_56 = arith.index_cast %scan3A_20 : i32 to index
      %swap3A_57 = arith.constant 80 : index
      %swap3A_58 = tpu.vector_load %arg8[%swap3A_56, %swap3A_57] {strides = array<i32>} : memref<128x128xf32, #tpu.memory_space<vmem>>, vector<1x16xf32>,
      %swap3A_59 = vector.shape_cast %swap3A_58 : vector<1x16xf32> to vector<16xf32>
      %swap3A_60 = vector.shape_cast %broadcast_in_dim3A_55 : vector<16xf32> to vector<1x16xf32>
      tpu.vector_store %arg8[%swap3A_56, %swap3A_57], %swap3A_60 {strides = array<i32>} : memref<128x128xf32, #tpu.memory_space<vmem>>, vector<1x16xf32>,
      %broadcast_in_dim3A_61 = arith.constant 0.000000e+00 : f32
      %broadcast_in_dim3A_62 = vector.broadcast %broadcast_in_dim3A_61 : f32 to vector<16xf32>
      %swap3A_63 = arith.index_cast %scan3A_20 : i32 to index
      %swap3A_64 = arith.constant 96 : index
      %swap3A_65 = tpu.vector_load %arg8[%swap3A_63, %swap3A_64] {strides = array<i32>} : memref<128x128xf32, #tpu.memory_space<vmem>>, vector<1x16xf32>,
      %swap3A_66 = vector.shape_cast %swap3A_65 : vector<1x16xf32> to vector<16xf32>
      %swap3A_67 = vector.shape_cast %broadcast_in_dim3A_62 : vector<16xf32> to vector<1x16xf32>
      tpu.vector_store %arg8[%swap3A_63, %swap3A_64], %swap3A_67 {strides = array<i32>} : memref<128x128xf32, #tpu.memory_space<vmem>>, vector<1x16xf32>,
      %broadcast_in_dim3A_68 = arith.constant 0.000000e+00 : f32
      %broadcast_in_dim3A_69 = vector.broadcast %broadcast_in_dim3A_68 : f32 to vector<16xf32>
      %swap3A_70 = arith.index_cast %scan3A_20 : i32 to index
      %swap3A_71 = arith.constant 112 : index
      %swap3A_72 = tpu.vector_load %arg8[%swap3A_70, %swap3A_71] {strides = array<i32>} : memref<128x128xf32, #tpu.memory_space<vmem>>, vector<1x16xf32>,
      %swap3A_73 = vector.shape_cast %swap3A_72 : vector<1x16xf32> to vector<16xf32>
      %swap3A_74 = vector.shape_cast %broadcast_in_dim3A_69 : vector<16xf32> to vector<1x16xf32>
      tpu.vector_store %arg8[%swap3A_70, %swap3A_71], %swap3A_74 {strides = array<i32>} : memref<128x128xf32, #tpu.memory_space<vmem>>, vector<1x16xf32>,
    }
    %scan3A_4 = arith.constant 128 : i32
    %scan3A_5 = arith.constant 0 : i32
    %scan3A_6 = arith.constant 5 : i32
    %scan3A_7 = arith.addi %scan3A_5, %scan3A_6 : i32
    %scan3A_8 = arith.constant 1 : i32
    scf.for %scan3A_20 = %scan3A_5 to %scan3A_7 step %scan3A_8  : i32 {
      %mul3A_21 = arith.constant 640 : i32
      %mul3A_22 = arith.muli %arg1, %mul3A_21 : i32
      %mul3A_23 = arith.constant 128 : i32
      %mul3A_24 = arith.muli %scan3A_20, %mul3A_23 : i32
      %add3A_25 = arith.addi %mul3A_22, %mul3A_24 : i32
      "tpu.region"() ({
        %run_scoped3A = tpu.sem_alloc : memref<!tpu.dma_semaphore, #tpu.memory_space<semaphore_mem>>
        %dma_start3A = arith.constant 0 : i32
        %dma_start3A_26 = tpu.memref_slice %arg9[%add3A_25, %dma_start3A] : memref<10240x128xf32, #tpu.memory_space<vmem_shared>> -> memref<128x128xf32, #tpu.memory_space<vmem_shared>>
        %dma_start3A_27 = arith.constant 0 : i32
        %dma_start3A_28 = tpu.memref_slice %arg9[%add3A_25, %dma_start3A_27] : memref<10240x128xf32, #tpu.memory_space<vmem_shared>> -> memref<128x128xf32, #tpu.memory_space<vmem_shared>>
        tpu.enqueue_dma source(%arg8 : memref<128x128xf32, #tpu.memory_space<vmem>>) target(%dma_start3A_28 : memref<128x128xf32, #tpu.memory_space<vmem_shared>>) target_semaphore(%run_scoped3A : memref<!tpu.dma_semaphore, #tpu.memory_space<semaphore_mem>>)
        %dma_wait3A = arith.constant 0 : i32
        %dma_wait3A_29 = tpu.memref_slice %arg9[%add3A_25, %dma_wait3A] : memref<10240x128xf32, #tpu.memory_space<vmem_shared>> -> memref<128x128xf32, #tpu.memory_space<vmem_shared>>
        %dma_wait3A_30 = arith.constant 0 : i32
        %dma_wait3A_31 = tpu.memref_slice %arg9[%add3A_25, %dma_wait3A_30] : memref<10240x128xf32, #tpu.memory_space<vmem_shared>> -> memref<128x128xf32, #tpu.memory_space<vmem_shared>>
        tpu.wait_dma2 semaphore(%run_scoped3A : memref<!tpu.dma_semaphore, #tpu.memory_space<semaphore_mem>>) src(%arg8 : memref<128x128xf32, #tpu.memory_space<vmem>>) dst(%dma_wait3A_31 : memref<128x128xf32, #tpu.memory_space<vmem_shared>>)
        tpu.yield
      }) : () -> ()
    }
    %scan3A_9 = arith.constant 5 : i32
    %barrier3A = arith.constant 0 : index
    tpu.barrier barrier_id(%barrier3A)
    %scan3A_10 = arith.constant 0 : i32
    %scan3A_11 = arith.constant 79 : i32
    %scan3A_12 = arith.addi %scan3A_10, %scan3A_11 : i32
    %scan3A_13 = arith.constant 1 : i32
    scf.for %scan3A_20 = %scan3A_10 to %scan3A_12 step %scan3A_13  : i32 {
      "tpu.region"() ({
        %run_scoped3A = tpu.sem_alloc : memref<!tpu.dma_semaphore, #tpu.memory_space<semaphore_mem>>
        %dma_start3A = arith.constant 0 : i32
        %dma_start3A_21 = tpu.memref_slice %arg6[%scan3A_20, %dma_start3A] : memref<79x128xi32, #tpu.memory_space<vmem>> -> memref<1x128xi32, #tpu.memory_space<vmem>>
        %dma_start3A_22 = tpu.memref_squeeze %dma_start3A_21 : memref<1x128xi32, #tpu.memory_space<vmem>> -> memref<128xi32, #tpu.memory_space<vmem>>
        %dma_start3A_23 = arith.constant 0 : i32
        %dma_start3A_24 = arith.constant 0 : i32
        %dma_start3A_25 = tpu.memref_slice %arg2[%dma_start3A_23, %dma_start3A_24] : memref<10000x128xf32, #tpu.memory_space<hbm>> -> memref<10000x128xf32, #tpu.memory_space<hbm>>
        tpu.enqueue_indirect_dma source(%dma_start3A_25 : memref<10000x128xf32, #tpu.memory_space<hbm>>) target(%arg8 : memref<128x128xf32, #tpu.memory_space<vmem>>) offsets(%dma_start3A_22 : memref<128xi32, #tpu.memory_space<vmem>>) semaphore(%run_scoped3A : memref<!tpu.dma_semaphore, #tpu.memory_space<semaphore_mem>>)
        %dma_wait3A = arith.constant 0 : i32
        %dma_wait3A_26 = tpu.memref_slice %arg6[%scan3A_20, %dma_wait3A] : memref<79x128xi32, #tpu.memory_space<vmem>> -> memref<1x128xi32, #tpu.memory_space<vmem>>
        %dma_wait3A_27 = tpu.memref_squeeze %dma_wait3A_26 : memref<1x128xi32, #tpu.memory_space<vmem>> -> memref<128xi32, #tpu.memory_space<vmem>>
        %dma_wait3A_28 = arith.constant 0 : i32
        %dma_wait3A_29 = arith.constant 0 : i32
        %dma_wait3A_30 = tpu.memref_slice %arg2[%dma_wait3A_28, %dma_wait3A_29] : memref<10000x128xf32, #tpu.memory_space<hbm>> -> memref<10000x128xf32, #tpu.memory_space<hbm>>
        tpu.wait_indirect_dma semaphore(%run_scoped3A : memref<!tpu.dma_semaphore, #tpu.memory_space<semaphore_mem>>) src(%dma_wait3A_30 : memref<10000x128xf32, #tpu.memory_space<hbm>>) dst(%arg8 : memref<128x128xf32, #tpu.memory_space<vmem>>)
        tpu.yield
      }) : () -> ()
      "tpu.region"() ({
        %run_scoped3A = tpu.sem_alloc : memref<!tpu.dma_semaphore, #tpu.memory_space<semaphore_mem>>
        %dma_start3A = arith.constant 0 : i32
        %dma_start3A_21 = tpu.memref_slice %arg7[%scan3A_20, %dma_start3A] : memref<79x128xi32, #tpu.memory_space<vmem>> -> memref<1x128xi32, #tpu.memory_space<vmem>>
        %dma_start3A_22 = tpu.memref_squeeze %dma_start3A_21 : memref<1x128xi32, #tpu.memory_space<vmem>> -> memref<128xi32, #tpu.memory_space<vmem>>
        %dma_start3A_23 = arith.constant 0 : i32
        %dma_start3A_24 = arith.constant 0 : i32
        %dma_start3A_25 = tpu.memref_slice %arg9[%dma_start3A_23, %dma_start3A_24] : memref<10240x128xf32, #tpu.memory_space<vmem_shared>> -> memref<10240x128xf32, #tpu.memory_space<vmem_shared>>
        tpu.enqueue_indirect_dma source(%arg8 : memref<128x128xf32, #tpu.memory_space<vmem>>) target(%dma_start3A_25 : memref<10240x128xf32, #tpu.memory_space<vmem_shared>>) offsets(%dma_start3A_22 : memref<128xi32, #tpu.memory_space<vmem>>) semaphore(%run_scoped3A : memref<!tpu.dma_semaphore, #tpu.memory_space<semaphore_mem>>) {add = true}
        %dma_wait3A = arith.constant 0 : i32
        %dma_wait3A_26 = tpu.memref_slice %arg7[%scan3A_20, %dma_wait3A] : memref<79x128xi32, #tpu.memory_space<vmem>> -> memref<1x128xi32, #tpu.memory_space<vmem>>
        %dma_wait3A_27 = tpu.memref_squeeze %dma_wait3A_26 : memref<1x128xi32, #tpu.memory_space<vmem>> -> memref<128xi32, #tpu.memory_space<vmem>>
        %dma_wait3A_28 = arith.constant 0 : i32
        %dma_wait3A_29 = arith.constant 0 : i32
        %dma_wait3A_30 = tpu.memref_slice %arg9[%dma_wait3A_28, %dma_wait3A_29] : memref<10240x128xf32, #tpu.memory_space<vmem_shared>> -> memref<10240x128xf32, #tpu.memory_space<vmem_shared>>
        tpu.wait_indirect_dma semaphore(%run_scoped3A : memref<!tpu.dma_semaphore, #tpu.memory_space<semaphore_mem>>) src(%arg8 : memref<128x128xf32, #tpu.memory_space<vmem>>) dst(%dma_wait3A_30 : memref<10240x128xf32, #tpu.memory_space<vmem_shared>>)
        tpu.yield
      }) : () -> ()
    }
    %scan3A_14 = arith.constant 79 : i32
    %barrier3A_15 = arith.constant 0 : index
    tpu.barrier barrier_id(%barrier3A_15)
    %mul3A_16 = arith.constant 640 : i32
    %mul3A_17 = arith.muli %arg1, %mul3A_16 : i32
    %mul3A_18 = arith.constant 640 : i32
    %mul3A_19 = arith.muli %arg1, %mul3A_18 : i32
    "tpu.region"() ({
      %run_scoped3A = tpu.sem_alloc : memref<!tpu.dma_semaphore, #tpu.memory_space<semaphore_mem>>
      %dma_start3A = arith.constant 0 : i32
      %dma_start3A_20 = tpu.memref_slice %arg5[%arg0, %mul3A_19, %dma_start3A] : memref<2x10240x128xf32, #tpu.memory_space<hbm>> -> memref<1x640x128xf32, #tpu.memory_space<hbm>>
      %dma_start3A_21 = tpu.memref_squeeze %dma_start3A_20 : memref<1x640x128xf32, #tpu.memory_space<hbm>> -> memref<640x128xf32, #tpu.memory_space<hbm>>
      %dma_start3A_22 = arith.constant 0 : i32
      %dma_start3A_23 = tpu.memref_slice %arg9[%mul3A_17, %dma_start3A_22] : memref<10240x128xf32, #tpu.memory_space<vmem_shared>> -> memref<640x128xf32, #tpu.memory_space<vmem_shared>>
      tpu.enqueue_dma source(%dma_start3A_23 : memref<640x128xf32, #tpu.memory_space<vmem_shared>>) target(%dma_start3A_21 : memref<640x128xf32, #tpu.memory_space<hbm>>) target_semaphore(%run_scoped3A : memref<!tpu.dma_semaphore, #tpu.memory_space<semaphore_mem>>)
      %dma_wait3A = arith.constant 0 : i32
      %dma_wait3A_24 = tpu.memref_slice %arg5[%arg0, %mul3A_19, %dma_wait3A] : memref<2x10240x128xf32, #tpu.memory_space<hbm>> -> memref<1x640x128xf32, #tpu.memory_space<hbm>>
      %dma_wait3A_25 = tpu.memref_squeeze %dma_wait3A_24 : memref<1x640x128xf32, #tpu.memory_space<hbm>> -> memref<640x128xf32, #tpu.memory_space<hbm>>
      %dma_wait3A_26 = arith.constant 0 : i32
      %dma_wait3A_27 = tpu.memref_slice %arg9[%mul3A_17, %dma_wait3A_26] : memref<10240x128xf32, #tpu.memory_space<vmem_shared>> -> memref<640x128xf32, #tpu.memory_space<vmem_shared>>
      tpu.wait_dma2 semaphore(%run_scoped3A : memref<!tpu.dma_semaphore, #tpu.memory_space<semaphore_mem>>) src(%dma_wait3A_27 : memref<640x128xf32, #tpu.memory_space<vmem_shared>>) dst(%dma_wait3A_25 : memref<640x128xf32, #tpu.memory_space<hbm>>)
      tpu.yield
    }) : () -> ()
    return
  }
}

module attributes {stable_mosaic.version = 14 : i64} {
  func.func @_scale_body(%arg0: i32, %arg1: memref<400x128xf32, #tpu.memory_space<vmem>>, %arg2: memref<400x1xf32, #tpu.memory_space<vmem>>, %arg3: memref<400x128xf32, #tpu.memory_space<vmem>>) attributes {dimension_semantics = [#tpu.dimension_semantics<arbitrary>], iteration_bounds = array<i64: 25>, scalar_prefetch = 0 : i64, scratch_operands = 0 : i64, tpu.core_type = #tpu.core_type<tc>, window_params = [{transform_indices = @transform_0, window_bounds = array<i64: 400, 128>}, {transform_indices = @transform_1, window_bounds = array<i64: 400, 1>}, {transform_indices = @transform_2, window_bounds = array<i64: 400, 128>}]} {
    %get3A = arith.constant 0 : index
    %get3A_0 = arith.constant 0 : index
    %get3A_1 = vector.load %arg1[%get3A, %get3A_0] : memref<400x128xf32, #tpu.memory_space<vmem>>, vector<400x128xf32>
    %get3A_2 = arith.constant 0 : index
    %get3A_3 = arith.constant 0 : index
    %get3A_4 = vector.load %arg2[%get3A_2, %get3A_3] : memref<400x1xf32, #tpu.memory_space<vmem>>, vector<400x1xf32>
    %mul3A = vector.broadcast %get3A_4 : vector<400x1xf32> to vector<400x128xf32>
    %mul3A_5 = arith.mulf %get3A_1, %mul3A : vector<400x128xf32>
    %swap3A = arith.constant 0 : index
    %swap3A_6 = arith.constant 0 : index
    %swap3A_7 = vector.load %arg3[%swap3A, %swap3A_6] : memref<400x128xf32, #tpu.memory_space<vmem>>, vector<400x128xf32>
    tpu.vector_store %arg3[%swap3A, %swap3A_6], %mul3A_5 {strides = array<i32>} : memref<400x128xf32, #tpu.memory_space<vmem>>, vector<400x128xf32>,
    return
  }
  func.func @transform_0(%arg0: i32) -> (i32, i32) {
    %c0_i32 = arith.constant 0 : i32
    %c0_i32_0 = arith.constant 0 : i32
    return %arg0, %c0_i32 : i32, i32
  }
  func.func @transform_1(%arg0: i32) -> (i32, i32) {
    %c0_i32 = arith.constant 0 : i32
    %c0_i32_0 = arith.constant 0 : i32
    return %arg0, %c0_i32 : i32, i32
  }
  func.func @transform_2(%arg0: i32) -> (i32, i32) {
    %c0_i32 = arith.constant 0 : i32
    %c0_i32_0 = arith.constant 0 : i32
    return %arg0, %c0_i32 : i32, i32
  }
}

module attributes {stable_mosaic.version = 14 : i64} {
  func.func @_mm2_body(%arg0: i32, %arg1: memref<2x400x128xf32, #tpu.memory_space<vmem>>, %arg2: memref<128x128xf32, #tpu.memory_space<vmem>>, %arg3: memref<1x128xf32, #tpu.memory_space<vmem>>, %arg4: memref<400x1xf32, #tpu.memory_space<vmem>>, %arg5: memref<128x128xf32, #tpu.memory_space<vmem>>, %arg6: memref<128x1xf32, #tpu.memory_space<vmem>>, %arg7: memref<400x1xf32, #tpu.memory_space<vmem>>, %arg8: memref<400x1xf32, #tpu.memory_space<vmem>>, %arg9: memref<1x128xf32, #tpu.memory_space<vmem>>, %arg10: memref<1x128xf32, #tpu.memory_space<vmem>>) attributes {dimension_semantics = [#tpu.dimension_semantics<arbitrary>], iteration_bounds = array<i64: 25>, scalar_prefetch = 0 : i64, scratch_operands = 1 : i64, tpu.core_type = #tpu.core_type<tc>, window_params = [{transform_indices = @transform_0, window_bounds = array<i64: 2, 400, 128>}, {pipeline_mode = #tpu.pipeline_mode<synchronous>, transform_indices = @transform_1, window_bounds = array<i64: 128, 128>}, {pipeline_mode = #tpu.pipeline_mode<synchronous>, transform_indices = @transform_2, window_bounds = array<i64: 1, 128>}, {transform_indices = @transform_3, window_bounds = array<i64: 400, 1>}, {pipeline_mode = #tpu.pipeline_mode<synchronous>, transform_indices = @transform_4, window_bounds = array<i64: 128, 128>}, {pipeline_mode = #tpu.pipeline_mode<synchronous>, transform_indices = @transform_5, window_bounds = array<i64: 128, 1>}, {transform_indices = @transform_6, window_bounds = array<i64: 400, 1>}, {transform_indices = @transform_7, window_bounds = array<i64: 400, 1>}, {pipeline_mode = #tpu.pipeline_mode<synchronous>, transform_indices = @transform_8, window_bounds = array<i64: 1, 128>}]} {
    %get3A = arith.constant 0 : index
    %get3A_0 = arith.constant 0 : index
    %get3A_1 = arith.constant 0 : index
    %get3A_2 = vector.load %arg1[%get3A, %get3A_0, %get3A_1] : memref<2x400x128xf32, #tpu.memory_space<vmem>>, vector<1x400x128xf32>
    %get3A_3 = vector.shape_cast %get3A_2 : vector<1x400x128xf32> to vector<400x128xf32>
    %get3A_4 = arith.constant 1 : index
    %get3A_5 = arith.constant 0 : index
    %get3A_6 = arith.constant 0 : index
    %get3A_7 = vector.load %arg1[%get3A_4, %get3A_5, %get3A_6] : memref<2x400x128xf32, #tpu.memory_space<vmem>>, vector<1x400x128xf32>
    %get3A_8 = vector.shape_cast %get3A_7 : vector<1x400x128xf32> to vector<400x128xf32>
    %add3A = arith.addf %get3A_3, %get3A_8 : vector<400x128xf32>
    %get3A_9 = arith.constant 0 : index
    %get3A_10 = arith.constant 0 : index
    %get3A_11 = vector.load %arg2[%get3A_9, %get3A_10] : memref<128x128xf32, #tpu.memory_space<vmem>>, vector<128x128xf32>
    %dot_general3A = arith.constant dense<0.000000e+00> : vector<400x128xf32>
    %dot_general3A_12 = tpu.matmul %add3A, %get3A_11, %dot_general3A {dimension_numbers = #tpu.dot_dimension_numbers<[1], [0], [0], [1], [0, 0, 1, 1], [], []>, precision = #tpu.contract_precision<fp32>, transpose_lhs_hint = false} : vector<400x128xf32>, vector<128x128xf32>, vector<400x128xf32> -> vector<400x128xf32>
    %get3A_13 = arith.constant 0 : index
    %get3A_14 = arith.constant 0 : index
    %get3A_15 = vector.load %arg3[%get3A_13, %get3A_14] : memref<1x128xf32, #tpu.memory_space<vmem>>, vector<1x128xf32>
    %add3A_16 = vector.broadcast %get3A_15 : vector<1x128xf32> to vector<400x128xf32>
    %add3A_17 = arith.addf %dot_general3A_12, %add3A_16 : vector<400x128xf32>
    %max3A = arith.constant 0.000000e+00 : f32
    %max3A_18 = vector.broadcast %max3A : f32 to vector<400x128xf32>
    %max3A_19 = arith.maximumf %add3A_17, %max3A_18 : vector<400x128xf32>
    %get3A_20 = arith.constant 0 : index
    %get3A_21 = arith.constant 0 : index
    %get3A_22 = vector.load %arg4[%get3A_20, %get3A_21] : memref<400x1xf32, #tpu.memory_space<vmem>>, vector<400x1xf32>
    %mul3A = vector.broadcast %get3A_22 : vector<400x1xf32> to vector<400x128xf32>
    %mul3A_23 = arith.mulf %max3A_19, %mul3A : vector<400x128xf32>
    %get3A_24 = arith.constant 0 : index
    %get3A_25 = arith.constant 0 : index
    %get3A_26 = vector.load %arg5[%get3A_24, %get3A_25] : memref<128x128xf32, #tpu.memory_space<vmem>>, vector<128x128xf32>
    %get3A_27 = arith.constant 0 : index
    %get3A_28 = arith.constant 0 : index
    %get3A_29 = vector.load %arg6[%get3A_27, %get3A_28] : memref<128x1xf32, #tpu.memory_space<vmem>>, vector<128x1xf32>
    %dot_general3A_30 = arith.constant dense<0.000000e+00> : vector<128x1xf32>
    %dot_general3A_31 = tpu.matmul %get3A_26, %get3A_29, %dot_general3A_30 {dimension_numbers = #tpu.dot_dimension_numbers<[1], [0], [0], [1], [0, 0, 1, 1], [], []>, precision = #tpu.contract_precision<fp32>, transpose_lhs_hint = false} : vector<128x128xf32>, vector<128x1xf32>, vector<128x1xf32> -> vector<128x1xf32>
    %dot_general3A_32 = arith.constant dense<0.000000e+00> : vector<400x1xf32>
    %dot_general3A_33 = tpu.matmul %mul3A_23, %dot_general3A_31, %dot_general3A_32 {dimension_numbers = #tpu.dot_dimension_numbers<[1], [0], [0], [1], [0, 0, 1, 1], [], []>, precision = #tpu.contract_precision<fp32>, transpose_lhs_hint = false} : vector<400x128xf32>, vector<128x1xf32>, vector<400x1xf32> -> vector<400x1xf32>
    %swap3A = arith.constant 0 : index
    %swap3A_34 = arith.constant 0 : index
    %swap3A_35 = vector.load %arg8[%swap3A, %swap3A_34] : memref<400x1xf32, #tpu.memory_space<vmem>>, vector<400x1xf32>
    tpu.vector_store %arg8[%swap3A, %swap3A_34], %dot_general3A_33 {strides = array<i32>} : memref<400x1xf32, #tpu.memory_space<vmem>>, vector<400x1xf32>,
    %get3A_36 = arith.constant 0 : index
    %get3A_37 = arith.constant 0 : index
    %get3A_38 = vector.load %arg7[%get3A_36, %get3A_37] : memref<400x1xf32, #tpu.memory_space<vmem>>, vector<400x1xf32>
    %mul3A_39 = vector.broadcast %get3A_38 : vector<400x1xf32> to vector<400x128xf32>
    %mul3A_40 = arith.mulf %mul3A_23, %mul3A_39 : vector<400x128xf32>
    %reduce_sum3A = arith.constant dense<0.000000e+00> : vector<128xf32>
    %reduce_sum3A_41 = vector.multi_reduction <add>, %mul3A_40, %reduce_sum3A [0] : vector<400x128xf32> to vector<128xf32>
    %broadcast_in_dim3A = vector.shape_cast %reduce_sum3A_41 : vector<128xf32> to vector<1x128xf32>
    %eq3A = arith.constant 0 : i32
    %eq3A_42 = arith.cmpi eq, %arg0, %eq3A : i32
    %convert_element_type3A = arith.extui %eq3A_42 : i1 to i32
    %cond3A = arith.constant 0 : i32
    %cond3A_43 = arith.cmpi ne, %convert_element_type3A, %cond3A : i32
    scf.if %cond3A_43 {
      %swap3A_53 = arith.constant 0 : index
      %swap3A_54 = arith.constant 0 : index
      %swap3A_55 = vector.load %arg10[%swap3A_53, %swap3A_54] : memref<1x128xf32, #tpu.memory_space<vmem>>, vector<1x128xf32>
      tpu.vector_store %arg10[%swap3A_53, %swap3A_54], %broadcast_in_dim3A {strides = array<i32>} : memref<1x128xf32, #tpu.memory_space<vmem>>, vector<1x128xf32>,
    } else {
    }
    %gt3A = arith.constant 0 : i32
    %gt3A_44 = arith.cmpi sgt, %arg0, %gt3A : i32
    %convert_element_type3A_45 = arith.extui %gt3A_44 : i1 to i32
    %cond3A_46 = arith.constant 0 : i32
    %cond3A_47 = arith.cmpi ne, %convert_element_type3A_45, %cond3A_46 : i32
    scf.if %cond3A_47 {
      %get3A_53 = arith.constant 0 : index
      %get3A_54 = arith.constant 0 : index
      %get3A_55 = vector.load %arg10[%get3A_53, %get3A_54] : memref<1x128xf32, #tpu.memory_space<vmem>>, vector<1x128xf32>
      %add3A_56 = arith.addf %get3A_55, %broadcast_in_dim3A : vector<1x128xf32>
      %swap3A_57 = arith.constant 0 : index
      %swap3A_58 = arith.constant 0 : index
      %swap3A_59 = vector.load %arg10[%swap3A_57, %swap3A_58] : memref<1x128xf32, #tpu.memory_space<vmem>>, vector<1x128xf32>
      tpu.vector_store %arg10[%swap3A_57, %swap3A_58], %add3A_56 {strides = array<i32>} : memref<1x128xf32, #tpu.memory_space<vmem>>, vector<1x128xf32>,
    } else {
    }
    %eq3A_48 = arith.constant 24 : i32
    %eq3A_49 = arith.cmpi eq, %arg0, %eq3A_48 : i32
    %convert_element_type3A_50 = arith.extui %eq3A_49 : i1 to i32
    %cond3A_51 = arith.constant 0 : i32
    %cond3A_52 = arith.cmpi ne, %convert_element_type3A_50, %cond3A_51 : i32
    scf.if %cond3A_52 {
      %get3A_53 = arith.constant 0 : index
      %get3A_54 = arith.constant 0 : index
      %get3A_55 = vector.load %arg10[%get3A_53, %get3A_54] : memref<1x128xf32, #tpu.memory_space<vmem>>, vector<1x128xf32>
      %swap3A_56 = arith.constant 0 : index
      %swap3A_57 = arith.constant 0 : index
      %swap3A_58 = vector.load %arg9[%swap3A_56, %swap3A_57] : memref<1x128xf32, #tpu.memory_space<vmem>>, vector<1x128xf32>
      tpu.vector_store %arg9[%swap3A_56, %swap3A_57], %get3A_55 {strides = array<i32>} : memref<1x128xf32, #tpu.memory_space<vmem>>, vector<1x128xf32>,
    } else {
    }
    return
  }
  func.func @transform_0(%arg0: i32) -> (i32, i32, i32) {
    %c0_i32 = arith.constant 0 : i32
    %c0_i32_0 = arith.constant 0 : i32
    %c0_i32_1 = arith.constant 0 : i32
    return %c0_i32, %arg0, %c0_i32_0 : i32, i32, i32
  }
  func.func @transform_1(%arg0: i32) -> (i32, i32) {
    %c0_i32 = arith.constant 0 : i32
    %c0_i32_0 = arith.constant 0 : i32
    %c0_i32_1 = arith.constant 0 : i32
    return %c0_i32, %c0_i32_0 : i32, i32
  }
  func.func @transform_2(%arg0: i32) -> (i32, i32) {
    %c0_i32 = arith.constant 0 : i32
    %c0_i32_0 = arith.constant 0 : i32
    %c0_i32_1 = arith.constant 0 : i32
    return %c0_i32, %c0_i32_0 : i32, i32
  }
  func.func @transform_3(%arg0: i32) -> (i32, i32) {
    %c0_i32 = arith.constant 0 : i32
    %c0_i32_0 = arith.constant 0 : i32
    return %arg0, %c0_i32 : i32, i32
  }
  func.func @transform_4(%arg0: i32) -> (i32, i32) {
    %c0_i32 = arith.constant 0 : i32
    %c0_i32_0 = arith.constant 0 : i32
    %c0_i32_1 = arith.constant 0 : i32
    return %c0_i32, %c0_i32_0 : i32, i32
  }
  func.func @transform_5(%arg0: i32) -> (i32, i32) {
    %c0_i32 = arith.constant 0 : i32
    %c0_i32_0 = arith.constant 0 : i32
    %c0_i32_1 = arith.constant 0 : i32
    return %c0_i32, %c0_i32_0 : i32, i32
  }
  func.func @transform_6(%arg0: i32) -> (i32, i32) {
    %c0_i32 = arith.constant 0 : i32
    %c0_i32_0 = arith.constant 0 : i32
    return %arg0, %c0_i32 : i32, i32
  }
  func.func @transform_7(%arg0: i32) -> (i32, i32) {
    %c0_i32 = arith.constant 0 : i32
    %c0_i32_0 = arith.constant 0 : i32
    return %arg0, %c0_i32 : i32, i32
  }
  func.func @transform_8(%arg0: i32) -> (i32, i32) {
    %c0_i32 = arith.constant 0 : i32
    %c0_i32_0 = arith.constant 0 : i32
    %c0_i32_1 = arith.constant 0 : i32
    return %c0_i32, %c0_i32_0 : i32, i32
  }
}

module attributes {stable_mosaic.version = 14 : i64} {
  func.func @_finz_body(%arg0: i32, %arg1: memref<2x512xf32, #tpu.memory_space<vmem>>, %arg2: memref<1x128xf32, #tpu.memory_space<vmem>>, %arg3: memref<128x128xf32, #tpu.memory_space<vmem>>, %arg4: memref<1x128xf32, #tpu.memory_space<vmem>>, %arg5: memref<128x1xf32, #tpu.memory_space<vmem>>, %arg6: memref<1x1xf32, #tpu.memory_space<vmem>>, %arg7: memref<128x1xf32, #tpu.memory_space<vmem>>, %arg8: memref<1x1xf32, #tpu.memory_space<vmem>>, %arg9: memref<512x1xf32, #tpu.memory_space<vmem>>, %arg10: memref<1x1xf32, #tpu.memory_space<vmem>>) attributes {dimension_semantics = [#tpu.dimension_semantics<arbitrary>], iteration_bounds = array<i64: 20>, scalar_prefetch = 0 : i64, scratch_operands = 0 : i64, tpu.core_type = #tpu.core_type<tc>, window_params = [{transform_indices = @transform_0, window_bounds = array<i64: 2, 512>}, {pipeline_mode = #tpu.pipeline_mode<synchronous>, transform_indices = @transform_1, window_bounds = array<i64: 1, 128>}, {pipeline_mode = #tpu.pipeline_mode<synchronous>, transform_indices = @transform_2, window_bounds = array<i64: 128, 128>}, {pipeline_mode = #tpu.pipeline_mode<synchronous>, transform_indices = @transform_3, window_bounds = array<i64: 1, 128>}, {pipeline_mode = #tpu.pipeline_mode<synchronous>, transform_indices = @transform_4, window_bounds = array<i64: 128, 1>}, {pipeline_mode = #tpu.pipeline_mode<synchronous>, transform_indices = @transform_5, window_bounds = array<i64: 1, 1>}, {pipeline_mode = #tpu.pipeline_mode<synchronous>, transform_indices = @transform_6, window_bounds = array<i64: 128, 1>}, {pipeline_mode = #tpu.pipeline_mode<synchronous>, transform_indices = @transform_7, window_bounds = array<i64: 1, 1>}, {transform_indices = @transform_8, window_bounds = array<i64: 512, 1>}, {pipeline_mode = #tpu.pipeline_mode<synchronous>, transform_indices = @transform_9, window_bounds = array<i64: 1, 1>}]} {
    %get3A = arith.constant 0 : index
    %get3A_0 = arith.constant 0 : index
    %get3A_1 = vector.load %arg1[%get3A, %get3A_0] : memref<2x512xf32, #tpu.memory_space<vmem>>, vector<1x512xf32>
    %get3A_2 = vector.shape_cast %get3A_1 : vector<1x512xf32> to vector<512xf32>
    %get3A_3 = arith.constant 1 : index
    %get3A_4 = arith.constant 0 : index
    %get3A_5 = vector.load %arg1[%get3A_3, %get3A_4] : memref<2x512xf32, #tpu.memory_space<vmem>>, vector<1x512xf32>
    %get3A_6 = vector.shape_cast %get3A_5 : vector<1x512xf32> to vector<512xf32>
    %add3A = arith.addf %get3A_2, %get3A_6 : vector<512xf32>
    %get3A_7 = arith.constant 0 : index
    %get3A_8 = arith.constant 0 : index
    %get3A_9 = vector.load %arg4[%get3A_7, %get3A_8] : memref<1x128xf32, #tpu.memory_space<vmem>>, vector<1x128xf32>
    %get3A_10 = arith.constant 0 : index
    %get3A_11 = arith.constant 0 : index
    %get3A_12 = vector.load %arg5[%get3A_10, %get3A_11] : memref<128x1xf32, #tpu.memory_space<vmem>>, vector<128x1xf32>
    %dot_general3A = arith.constant dense<0.000000e+00> : vector<1x1xf32>
    %dot_general3A_13 = tpu.matmul %get3A_9, %get3A_12, %dot_general3A {dimension_numbers = #tpu.dot_dimension_numbers<[1], [0], [0], [1], [0, 0, 1, 1], [], []>, precision = #tpu.contract_precision<fp32>, transpose_lhs_hint = false} : vector<1x128xf32>, vector<128x1xf32>, vector<1x1xf32> -> vector<1x1xf32>
    %get3A_14 = arith.constant 0 : index
    %get3A_15 = arith.constant 0 : index
    %get3A_16 = vector.load %arg6[%get3A_14, %get3A_15] : memref<1x1xf32, #tpu.memory_space<vmem>>, vector<1x1xf32>
    %add3A_17 = arith.addf %dot_general3A_13, %get3A_16 : vector<1x1xf32>
    %broadcast_in_dim3A = vector.shape_cast %add3A : vector<512xf32> to vector<512x1xf32>
    %add3A_18 = vector.broadcast %add3A_17 : vector<1x1xf32> to vector<512x1xf32>
    %add3A_19 = arith.addf %broadcast_in_dim3A, %add3A_18 : vector<512x1xf32>
    %swap3A = arith.constant 0 : index
    %swap3A_20 = arith.constant 0 : index
    %swap3A_21 = vector.load %arg9[%swap3A, %swap3A_20] : memref<512x1xf32, #tpu.memory_space<vmem>>, vector<512x1xf32>
    tpu.vector_store %arg9[%swap3A, %swap3A_20], %add3A_19 {strides = array<i32>} : memref<512x1xf32, #tpu.memory_space<vmem>>, vector<512x1xf32>,
    %eq3A = arith.constant 0 : i32
    %eq3A_22 = arith.cmpi eq, %arg0, %eq3A : i32
    %convert_element_type3A = arith.extui %eq3A_22 : i1 to i32
    %cond3A = arith.constant 0 : i32
    %cond3A_23 = arith.cmpi ne, %convert_element_type3A, %cond3A : i32
    scf.if %cond3A_23 {
      %get3A_24 = arith.constant 0 : index
      %get3A_25 = arith.constant 0 : index
      %get3A_26 = vector.load %arg2[%get3A_24, %get3A_25] : memref<1x128xf32, #tpu.memory_space<vmem>>, vector<1x128xf32>
      %mul3A = arith.constant 9.99999974E-5 : f32
      %mul3A_27 = vector.broadcast %mul3A : f32 to vector<1x128xf32>
      %mul3A_28 = arith.mulf %get3A_26, %mul3A_27 : vector<1x128xf32>
      %get3A_29 = arith.constant 0 : index
      %get3A_30 = arith.constant 0 : index
      %get3A_31 = vector.load %arg3[%get3A_29, %get3A_30] : memref<128x128xf32, #tpu.memory_space<vmem>>, vector<128x128xf32>
      %dot_general3A_32 = arith.constant dense<0.000000e+00> : vector<1x128xf32>
      %dot_general3A_33 = tpu.matmul %mul3A_28, %get3A_31, %dot_general3A_32 {dimension_numbers = #tpu.dot_dimension_numbers<[1], [0], [0], [1], [0, 0, 1, 1], [], []>, precision = #tpu.contract_precision<fp32>, transpose_lhs_hint = false} : vector<1x128xf32>, vector<128x128xf32>, vector<1x128xf32> -> vector<1x128xf32>
      %get3A_34 = arith.constant 0 : index
      %get3A_35 = arith.constant 0 : index
      %get3A_36 = vector.load %arg4[%get3A_34, %get3A_35] : memref<1x128xf32, #tpu.memory_space<vmem>>, vector<1x128xf32>
      %add3A_37 = arith.addf %dot_general3A_33, %get3A_36 : vector<1x128xf32>
      %get3A_38 = arith.constant 0 : index
      %get3A_39 = arith.constant 0 : index
      %get3A_40 = vector.load %arg7[%get3A_38, %get3A_39] : memref<128x1xf32, #tpu.memory_space<vmem>>, vector<128x1xf32>
      %dot_general3A_41 = arith.constant dense<0.000000e+00> : vector<1x1xf32>
      %dot_general3A_42 = tpu.matmul %add3A_37, %get3A_40, %dot_general3A_41 {dimension_numbers = #tpu.dot_dimension_numbers<[1], [0], [0], [1], [0, 0, 1, 1], [], []>, precision = #tpu.contract_precision<fp32>, transpose_lhs_hint = false} : vector<1x128xf32>, vector<128x1xf32>, vector<1x1xf32> -> vector<1x1xf32>
      %get3A_43 = arith.constant 0 : index
      %get3A_44 = arith.constant 0 : index
      %get3A_45 = vector.load %arg8[%get3A_43, %get3A_44] : memref<1x1xf32, #tpu.memory_space<vmem>>, vector<1x1xf32>
      %add3A_46 = arith.addf %dot_general3A_42, %get3A_45 : vector<1x1xf32>
      %swap3A_47 = arith.constant 0 : index
      %swap3A_48 = arith.constant 0 : index
      %swap3A_49 = vector.load %arg10[%swap3A_47, %swap3A_48] : memref<1x1xf32, #tpu.memory_space<vmem>>, vector<1x1xf32>
      tpu.vector_store %arg10[%swap3A_47, %swap3A_48], %add3A_46 {strides = array<i32>} : memref<1x1xf32, #tpu.memory_space<vmem>>, vector<1x1xf32>,
    } else {
    }
    return
  }
  func.func @transform_0(%arg0: i32) -> (i32, i32) {
    %c0_i32 = arith.constant 0 : i32
    %c0_i32_0 = arith.constant 0 : i32
    return %c0_i32, %arg0 : i32, i32
  }
  func.func @transform_1(%arg0: i32) -> (i32, i32) {
    %c0_i32 = arith.constant 0 : i32
    %c0_i32_0 = arith.constant 0 : i32
    %c0_i32_1 = arith.constant 0 : i32
    return %c0_i32, %c0_i32_0 : i32, i32
  }
  func.func @transform_2(%arg0: i32) -> (i32, i32) {
    %c0_i32 = arith.constant 0 : i32
    %c0_i32_0 = arith.constant 0 : i32
    %c0_i32_1 = arith.constant 0 : i32
    return %c0_i32, %c0_i32_0 : i32, i32
  }
  func.func @transform_3(%arg0: i32) -> (i32, i32) {
    %c0_i32 = arith.constant 0 : i32
    %c0_i32_0 = arith.constant 0 : i32
    %c0_i32_1 = arith.constant 0 : i32
    return %c0_i32, %c0_i32_0 : i32, i32
  }
  func.func @transform_4(%arg0: i32) -> (i32, i32) {
    %c0_i32 = arith.constant 0 : i32
    %c0_i32_0 = arith.constant 0 : i32
    %c0_i32_1 = arith.constant 0 : i32
    return %c0_i32, %c0_i32_0 : i32, i32
  }
  func.func @transform_5(%arg0: i32) -> (i32, i32) {
    %c0_i32 = arith.constant 0 : i32
    %c0_i32_0 = arith.constant 0 : i32
    %c0_i32_1 = arith.constant 0 : i32
    return %c0_i32, %c0_i32_0 : i32, i32
  }
  func.func @transform_6(%arg0: i32) -> (i32, i32) {
    %c0_i32 = arith.constant 0 : i32
    %c0_i32_0 = arith.constant 0 : i32
    %c0_i32_1 = arith.constant 0 : i32
    return %c0_i32, %c0_i32_0 : i32, i32
  }
  func.func @transform_7(%arg0: i32) -> (i32, i32) {
    %c0_i32 = arith.constant 0 : i32
    %c0_i32_0 = arith.constant 0 : i32
    %c0_i32_1 = arith.constant 0 : i32
    return %c0_i32, %c0_i32_0 : i32, i32
  }
  func.func @transform_8(%arg0: i32) -> (i32, i32) {
    %c0_i32 = arith.constant 0 : i32
    %c0_i32_0 = arith.constant 0 : i32
    return %arg0, %c0_i32 : i32, i32
  }
  func.func @transform_9(%arg0: i32) -> (i32, i32) {
    %c0_i32 = arith.constant 0 : i32
    %c0_i32_0 = arith.constant 0 : i32
    %c0_i32_1 = arith.constant 0 : i32
    return %c0_i32, %c0_i32_0 : i32, i32
  }
}

</mosaic_0001>

<sc_bundles>
// kernel: kernel.11.cloned.1.call-start
scs
__scs_entry_jumppad:
0x0: {  	(pc) =	sbr.rel $0x88, $3  }
0x1: {  	(tag) =	ssettag $0x0;
	lr =	simm.s32 $0x1  }
0x2: {  	[smem:$0x3F97] =	sst lr;
	_ =	strace $0xD0000000  }
0x3: {  	_ = 	snop  }
0x4: {  	_ = 	snop  }
0x5: {  	_ = 	snop  }
0x6: {  	_ = 	snop  }
0x7: {  	_ = 	snop  }
__scs_overlays_trampoline_lowered:
0x8: {  	[smem:$0x3FA6] =	sst s0  }
0x9: {  	[smem:$0x3FA7] =	sst s1  }
0xa: {  	[smem:$0x3FA8] =	sst s2  }
0xb: {  	[smem:$0x3FA9] =	sst s3  }
0xc: {  	[smem:$0x3FAA] =	sst s4  }
0xd: {  	[smem:$0x3FAB] =	sst s5  }
0xe: {  	[smem:$0x3FAC] =	sst s6  }
0xf: {  	[smem:$0x3FAD] =	sst s7  }
0x10: {  	[smem:$0x3FAE] =	sst s8  }
0x11: {  	[smem:$0x3FAF] =	sst s9;
	s0 =	simm.s32 @!p0 $0x0  }
0x12: {  	s1 =	sld [smem:$0x3F95];
	s0 =	simm.s32 @p0 $0x1  }
0x13: {  	[smem:$0x3FB0] =	sst s0;
	s0 =	simm.s32 @!p1 $0x0  }
0x14: {  	s2 =	sld [smem:$0x3F94];
	s0 =	simm.s32 @p1 $0x1  }
0x15: {  	[smem:$0x3FB1] =	sst s0;
	s0 =	simm.s32 @!p2 $0x0  }
0x16: {  	s3 =	sld [smem:$0x3FDB];
	s0 =	simm.s32 @p2 $0x1  }
0x17: {  	s4 =	simm.s32 $0x1BF5;
	[smem:$0x3FB3] =	sst s0  }
0x18: {  	s0 =	sld [smem:$0x3F96];
	_ =	swait.ge [sflag:s4], $0x0  }
0x19: {  	s7 =	sld [smem:$0x3F97]  }
0x1a: {  	s8 =	sadd.s32 $0xFFFFE003, lr  }
0x1b: {  	s9 =	sadd.s32 $0xFFFFFEF7, lr;
	s5 =	simm.s32 $0xFFFFFFFF;
	p2 =	slt.u32 s8, $0xFFFFF086  }
0x1c: {  	p1 =	slt.u32 s9, $0xF7A;
	s5 =	simm.s32 @!p2 $0x0  }
0x1d: {  	s5 =	simm.s32 @p1 $0x1;
	p0 =	seq.s32 s7, s2  }
0x1e: {  	s7 =	smul.u32 @!p0 $0xF7A, s2;
	p2 =	seq.s32 @!p0 s5, $0x0  }
0x1f: {  	s9 =	smul.u32 $0xF7A, s1;
	s8 =	simm.s32 @!p0 $0x1BF5;
	p2 =	por !p2, p0  }
0x20: {  	[sflag:s8] =	ssyncset.s32 @!p0 $0xFFFFF086;
	s6 =	sadd.s32 @!p0 s3, s7;
	s7 =	simm.s32 @!p0 $0x108  }
0x21: {  	s3 =	sadd.s32 s3, s9;
	s6 =	sadd.s32 @!p0 $0x88, s6;
	s7 =	simm.s32 @p2 $0x1082  }
0x22: {  	[simem:s7], [sflag:s8] =	dma.local @!p0 [hbm:s6], $0xF7A  }
0x23: {  	s9 =	sor.u32 $0xD0000000, s2;
	s6 =	simm.s32 $0x108;
	_ =	swait.ge @!p0 [sflag:s8], $0x0  }
0x24: {  	s3 =	sadd.s32 $0x88, s3;
	s6 =	simm.s32 @!p1 $0x1082;
	[sflag:s4] =	ssyncset.s32 $0xFFFFF086  }
0x25: {  	[simem:s6], [sflag:s4] =	dma.local [hbm:s3], $0xF7A  }
0x26: {  	[smem:$0x3F97] =	sst s1;
	(tag) =	ssettag s2;
	_ =	strace s9  }
0x27: {  	s1 =	sld [smem:$0x3FA7]  }
0x28: {  	s2 =	sld [smem:$0x3FA8]  }
0x29: {  	s4 =	sld [smem:$0x3FAA]  }
0x2a: {  	p0 =	seq.s32 s5, $0x0;
	s5 =	sld [smem:$0x3FAB]  }
0x2b: {  	s6 =	sld [smem:$0x3FAC]  }
0x2c: {  	s7 =	sld [smem:$0x3FAD]  }
0x2d: {  	s3 =	simm.s32 $0x108;
	s8 =	sld [smem:$0x3FAE]  }
0x2e: {  	s3 =	simm.s32 @!p0 $0x1082;
	s9 =	sld [smem:$0x3FAF]  }
0x2f: {  	lr =	sadd.s32 s0, s3;
	s0 =	sld [smem:$0x3FA6]  }
0x30: {  	s3 =	sld [smem:$0x3FA9]  }
0x31: {  	[smem:$0x3FB2] =	sst s10  }
0x32: {  	s10 =	sld [smem:$0x3FB0];
	_ =	sdelay $0x3  }
0x33: {  	p0 =	seq.s32 s10, $0x1;
	s10 =	sld [smem:$0x3FB2];
	_ =	sdelay $0x3  }
0x34: {  	[smem:$0x3FB2] =	sst s10  }
0x35: {  	s10 =	sld [smem:$0x3FB1];
	_ =	sdelay $0x3  }
0x36: {  	p1 =	seq.s32 s10, $0x1;
	s10 =	sld [smem:$0x3FB2];
	_ =	sdelay $0x3  }
0x37: {  	[smem:$0x3FB2] =	sst s10  }
0x38: {  	s10 =	sld [smem:$0x3FB3]  }
0x39: {  	_ = 	snop;
	(pc) =	sbr.ind lr, $3  }
0x3a: {  	_ = 	snop  }
0x3b: {  	_ = 	snop  }
0x3c: {  	p2 =	seq.s32 s10, $0x1;
	s10 =	sld [smem:$0x3FB2]  }
0x3d: {  	_ =	shalt  }
0x3e: {  	_ =	shalt  }
0x3f: {  	_ =	shalt  }
0x40: {  	_ =	shalt  }
0x41: {  	_ =	shalt  }
0x42: {  	_ =	shalt  }
0x43: {  	_ =	shalt  }
0x44: {  	_ =	shalt  }
0x45: {  	_ =	shalt  }
0x46: {  	_ =	shalt  }
0x47: {  	_ =	shalt  }
0x48: {  	_ =	shalt  }
0x49: {  	_ =	shalt  }
0x4a: {  	_ =	shalt  }
0x4b: {  	_ =	shalt  }
0x4c: {  	_ =	shalt  }
0x4d: {  	_ =	shalt  }
0x4e: {  	_ =	shalt  }
0x4f: {  	_ =	shalt  }
0x50: {  	_ =	shalt  }
0x51: {  	_ =	shalt  }
0x52: {  	_ =	shalt  }
0x53: {  	_ =	shalt  }
0x54: {  	_ =	shalt  }
0x55: {  	_ =	shalt  }
0x56: {  	_ =	shalt  }
0x57: {  	_ =	shalt  }
0x58: {  	_ =	shalt  }
0x59: {  	_ =	shalt  }
0x5a: {  	_ =	shalt  }
0x5b: {  	_ =	shalt  }
0x5c: {  	_ =	shalt  }
0x5d: {  	_ =	shalt  }
0x5e: {  	_ =	shalt  }
0x5f: {  	_ =	shalt  }
0x60: {  	_ =	shalt  }
0x61: {  	_ =	shalt  }
0x62: {  	_ =	shalt  }
0x63: {  	_ =	shalt  }
0x64: {  	_ =	shalt  }
0x65: {  	_ =	shalt  }
0x66: {  	_ =	shalt  }
0x67: {  	_ =	shalt  }
0x68: {  	_ =	shalt  }
0x69: {  	_ =	shalt  }
0x6a: {  	_ =	shalt  }
0x6b: {  	_ =	shalt  }
0x6c: {  	_ =	shalt  }
0x6d: {  	_ =	shalt  }
0x6e: {  	_ =	shalt  }
0x6f: {  	_ =	shalt  }
0x70: {  	_ =	shalt  }
0x71: {  	_ =	shalt  }
0x72: {  	_ =	shalt  }
0x73: {  	_ =	shalt  }
0x74: {  	_ =	shalt  }
0x75: {  	_ =	shalt  }
0x76: {  	_ =	shalt  }
0x77: {  	_ =	shalt  }
0x78: {  	_ =	shalt  }
0x79: {  	_ =	shalt  }
0x7a: {  	_ =	shalt  }
0x7b: {  	_ =	shalt  }
0x7c: {  	_ =	shalt  }
0x7d: {  	_ =	shalt  }
0x7e: {  	_ =	shalt  }
0x7f: {  	_ =	shalt  }
0x80: {  	_ =	shalt  }
0x81: {  	_ =	shalt  }
0x82: {  	_ =	shalt  }
0x83: {  	_ =	shalt  }
0x84: {  	_ =	shalt  }
0x85: {  	_ =	shalt  }
0x86: {  	_ =	shalt  }
0x87: {  	_ =	shalt  }
.Lfunc_end0:
.L_simem_size_0:
called_computation.1_lowered:
.L_overlay_start_0:
0x88: {  	s2 =	sld [smem:$0x3FD9]  }
0x89: {  	s3 =	sld [smem:$0x3FFE];
	_ =	sdelay $0x1  }
0x8a: {  	s1 =	srdreg.scid  }
0x8b: {  	s0 =	sand.u32 $0x1, s1  }
0x8c: {  	s16 =	sshll.u32 s0, $0xA;
	s2 =	sadd.s32 s3, s2  }
0x8d: {  	s2 =	sadd.s32 s2, s16  }
0x8e: {  	[smem:$0x3FBE] =	sst s2  }
0x8f: {  	_ = 	snop  }
0x90: {  	(tm) =	ssettm $0x1  }
0x91: {  	s17 =	sld [smem:$0x3FFB];
	_ =	sdelay $0x3  }
0x92: {  	_ =	strace s17  }
0x93: {  	s2 =	sld [smem:$0x3FFC];
	_ =	sdelay $0x3  }
0x94: {  	_ =	strace s2  }
0x95: {  	s2 =	sld [smem:$0x3FFD];
	_ =	sdelay $0x3  }
0x96: {  	_ =	strace s2  }
0x97: {  	_ =	strace $0x8FFFFFFF  }
0x98: {  	s18 =	sld [smem:$0x3FDB];
	_ =	sdelay $0x1  }
0x99: {  	s19 =	simm.s32 $_scs_section_size  }
0x9a: {  	s4 =	simm.s32 $_size__tile_overlayer_lowered;
	s5 =	simm.s32 $_tile_overlayer_lowered  }
0x9b: {  	s22 =	simm.s32 $0x1BFF;
	s21 =	sshll.u32 s5, $0x1;
	s2 =	sadd.s32 s19, s18  }
0x9c: {  	s6 =	simm.s32 $0x0;
	s20 =	sshll.u32 s4, $0x1;
	s4 =	sadd.s32 s21, s2  }
0x9d: {  	[timem:s6], [sflag:s22] =	dma.local [hbm:s4], s20  }
0x9e: {  	_ =	swait.ge [sflag:s22], s20  }
0x9f: {  	s3 =	ssub.s32 $0x0, s20;
	[sflag:s22] =	ssyncset.done $0x0  }
0xa0: {  	[sflag:s22] =	ssyncadd.s32 s3;
	_ =	sdelay $0x1  }
0xa1: {  	s23 =	simm.s32 $0x1B8B  }
0xa2: {  	_ =	swait.ge [sflag:s23], $0x1  }
0xa3: {  	[sflag:s23] =	ssyncset.done $0x0  }
0xa4: {  	s25 =	simm.s32 $0x1B8E;
	s24 =	sld [smem:$0x3FFE];
	[sflag:s23] =	ssyncadd.s32 $0xFFFFFFFF  }
0xa5: {  	s26 =	simm.s32 $execute0_lowered;
	[smem:$0x3FD2] =	sst s25  }
0xa6: {  	s4 =	sshll.u32 s26, $0x1;
	_ =	strace $0x80000049;
	[dreg:$0x1] =	wrdreg $0xFFFFFFFF  }
0xa7: {  	s28 =	simm.s32 $_size_execute0_lowered;
	s2 =	sadd.s32 s2, s4;
	[dreg:$0x0] =	wrdreg $0x0  }
0xa8: {  	s4 =	sshll.u32 s28, $0x1;
	[dreg:$0x2] =	wrdreg s2  }
0xa9: {  	[dreg:$0x3] =	wrdreg s4  }
0xaa: {  	[dreg:$0x4] =	wrdreg $0xC0  }
0xab: {  	_ =	task [dreg:s6], $0x5FFFF  }
0xac: {  	[dreg:$0x1] =	wrdreg $0xFFFFFFFF  }
0xad: {  	[dreg:$0x0] =	wrdreg $0x60  }
0xae: {  	[dreg:$0x2] =	wrdreg s24  }
0xaf: {  	[dreg:$0x3] =	wrdreg $0x90000  }
0xb0: {  	[dreg:$0x4] =	wrdreg $0x9  }
0xb1: {  	_ =	task.clear_ibuf [dreg:s6], $0x5FFFF;
	_ =	strace $0x90000049  }
0xb2: {  	s29 =	simm.s32 $0x9;
	_ =	strace $0x8000004B  }
0xb3: {  	_ =	swait.ge [sflag:s29], $0x1  }
0xb4: {  	[sflag:s29] =	ssyncadd.s32 $0xFFFFFFFF  }
0xb5: {  	_ =	strace $0x9000004B  }
0xb6: {  	_ =	sfence  }
0xb7: {  	s30 =	sld [smem:$0x0];
	_ =	sdelay $0x2  }
0xb8: {  	s31 =	sshll.u32 s1, $0xD;
	s1 =	sshrl.u32 s1, $0x2  }
0xb9: {  	s3 =	sand.u32 $0x4000, s31;
	s1 =	sadd.s32 s1, s30  }
0xba: {  	s0 =	sor.u32 s3, s0;
	s1 =	sshll.u32 s1, $0x11  }
0xbb: {  	s0 =	sor.u32 s1, s0  }
0xbc: {  	s0 =	sadd.s32 $0x8F2B, s0  }
0xbd: {  	[sflag:s0] =	ssyncadd.remote.s32 $0x1  }
0xbe: {  	_ =	sfence.sel $0xFFFF  }
0xbf: {  	[dreg:$0x0] =	wrdreg $0xFFFFFFFF;
	(pc) =	sbr.abs _section_cstart, $3  }
0xc0: {  	[dreg:$0x1] =	wrdreg $0xFFFFFFFF  }
0xc1: {  	_ =	task.clear_ibuf [dreg:s6], $0x2FFFF;
	_ =	strace $0x9FFFFFFF  }
0xc2: {  	(tm) =	ssettm $0x7FFFFFFF  }
0xc3: {  	_ =	shalt  }
tec
execute0_lowered:
.L_overlay_start_1:
0x0: {  	(tag) =	ssettag $0x1  }
0x1: {  	s5 =	rddreg [dreg:$0x0]  }
0x2: {  	s1 =	rddreg [dreg:$0x1]  }
0x3: {  	s2 =	srdreg.scid;
	s0 =	rddreg [dreg:$0x2];
	s3 =	simm.s32 $0x0  }
0x4: {  	s14 =	simm.s32 $0x1;
	s15 =	simm.s32 $0x2800;
	s16 =	simm.s32 $0x5000  }
0x5: {  	s17 =	simm.s32 $0x80;
	s6 =	sand.u32 $0x1, s2;
	s2 =	stileid.u32  }
0x6: {  	s20 =	simm.s32 $0x0;
	[smem:$0x7FF] =	sst s3;
	s7 =	smul.u32 $0x140000, s6  }
0x7: {  	s4 =	sadd.s32 $0x20C00, s5;
	s8 =	sshll.u32 s2, $0x1;
	s9 =	smul.u32 $0x14000, s2  }
0x8: {  	_ =	strace $0x8000004A;
	s10 =	smul.u32 $0x50000, s2;
	s18 =	sshll.u32 s2, $0x6  }
0x9: {  	s8 =	sor.u32 s6, s8;
	s6 =	ssub.s32 $0x2, s6;
	s18 =	sor.u32 $0x1C01, s18  }
0xa: {  	s8 =	smul.u32 $0x500, s8;
	s7 =	sadd.s32 s9, s7;
	s30 =	sshrl.u32 s6, $0x1  }
0xb: {  	s31 =	sshrl.u32 s10, $0x2;
	s7 =	sshrl.u32 s7, $0x3;
	s9 =	ssub.s32 s6, s30  }
0xc: {  	s8 =	sadd.s32 s8, s5;
	s11 =	sadd.s32 s7, s5;
	s7 =	sadd.s32 s31, s1  }
0xd: {  	s9 =	smax.u32 s9, $0x1;
	s5 =	sadd.s32 $0xCC00, s8;
	s6 =	sadd.s32 $0x16C00, s8  }
0xe: {  	s8 =	sadd.s32 $0x47E00, s11;
	s10 =	sadd.s32 $0x4000, s7;
	s11 =	sadd.s32 $0x8000, s7  }
0xf: {  	v0 =	vimm.f32 $0.0e+00;
	s12 =	sadd.s32 $0xC000, s7;
	s13 =	sadd.s32 $0x10000, s7;
	s19 =	sshrl.u32 s7, $0x3  }
.LBB2_1:
0x10: {  	[tilespmem:s3], [sflag:$0x1] =	stream.linear.gather [hbm4b:s5+s3], $0x2780, $0x38;
	[tilespmem:$0x1D000] =	vst v63  }
0x11: {  	_ =	swait.ge [sflag:s14], $0x2780  }
0x12: {  	[sflag:s14] =	ssyncset.done $0x0  }
0x13: {  	[sflag:s14] =	ssyncadd.s32 $0xFFFFD880  }
0x14: {  	[tilespmem:s15], [sflag:$0x1] =	stream.linear.gather [hbm4b:s6+s3], $0x2780, $0x38;
	[tilespmem:$0x1D000] =	vst v63  }
0x15: {  	_ =	swait.ge [sflag:s14], $0x2780  }
0x16: {  	[sflag:s14] =	ssyncset.done $0x0  }
0x17: {  	s21 =	simm.s32 $0x0;
	s22 =	simm.s32 $0x200;
	[sflag:s14] =	ssyncadd.s32 $0xFFFFD880  }
.LBB2_2:
0x18: {  	p0 =	sne.s32 s22, $0xFE00;
	[tilespmem:s21+$0x5070] =	vst v0  }
0x19: {  	[tilespmem:s21+$0x5000] =	vst v0  }
0x1a: {  	[tilespmem:s21+$0x5010] =	vst v0  }
.Ltmp0:
0x1b: {  	[tilespmem:s21+$0x5020] =	vst v0;
	(pc) =	sbr.rel @p0 .LBB2_2-.Ltmp0, $4  }
0x1c: {  	[tilespmem:s21+$0x5030] =	vst v0  }
0x1d: {  	[tilespmem:s21+$0x5040] =	vst v0  }
0x1e: {  	[tilespmem:s21+$0x5050] =	vst v0  }
0x1f: {  	[tilespmem:s21+$0x5060] =	vst v0;
	s21 =	sshra.s32 s22, $0x2;
	s22 =	sadd.s32 $0x200, s22  }
0x20: {  	[tilespmem:s21+$0x5070] =	vst v0  }
0x21: {  	[tilespmem:s21+$0x5000] =	vst v0  }
0x22: {  	[tilespmem:s21+$0x5010] =	vst v0  }
0x23: {  	[tilespmem:s21+$0x5020] =	vst v0  }
0x24: {  	[tilespmem:s21+$0x5030] =	vst v0  }
0x25: {  	[tilespmem:s21+$0x5040] =	vst v0  }
0x26: {  	[tilespmem:s21+$0x5050] =	vst v0  }
0x27: {  	[tilespmem:s21+$0x5060] =	vst v0  }
0x28: {  	[spmem:s7] =	stream.linear.scatter [tilespmem:s16], [sflag:$0x1], $0x4000, $0x38;
	[tilespmem:$0x1D000] =	vst v63  }
0x29: {  	_ =	swait.ge [sflag:s14], $0x4000  }
0x2a: {  	[sflag:s14] =	ssyncset.done $0x0  }
0x2b: {  	[sflag:s14] =	ssyncadd.s32 $0xFFFFC000  }
0x2c: {  	[spmem:s10] =	stream.linear.scatter [tilespmem:s16], [sflag:$0x1], $0x4000, $0x38;
	[tilespmem:$0x1D000] =	vst v63  }
0x2d: {  	_ =	swait.ge [sflag:s14], $0x4000  }
0x2e: {  	[sflag:s14] =	ssyncset.done $0x0  }
0x2f: {  	[sflag:s14] =	ssyncadd.s32 $0xFFFFC000  }
0x30: {  	[spmem:s11] =	stream.linear.scatter [tilespmem:s16], [sflag:$0x1], $0x4000, $0x38;
	[tilespmem:$0x1D000] =	vst v63  }
0x31: {  	_ =	swait.ge [sflag:s14], $0x4000  }
0x32: {  	[sflag:s14] =	ssyncset.done $0x0  }
0x33: {  	[sflag:s14] =	ssyncadd.s32 $0xFFFFC000  }
0x34: {  	[spmem:s12] =	stream.linear.scatter [tilespmem:s16], [sflag:$0x1], $0x4000, $0x38;
	[tilespmem:$0x1D000] =	vst v63  }
0x35: {  	_ =	swait.ge [sflag:s14], $0x4000  }
0x36: {  	[sflag:s14] =	ssyncset.done $0x0  }
0x37: {  	[sflag:s14] =	ssyncadd.s32 $0xFFFFC000  }
0x38: {  	[spmem:s13] =	stream.linear.scatter [tilespmem:s16], [sflag:$0x1], $0x4000, $0x38;
	[tilespmem:$0x1D000] =	vst v63  }
0x39: {  	_ =	swait.ge [sflag:s14], $0x4000  }
0x3a: {  	[sflag:s14] =	ssyncset.done $0x0  }
0x3b: {  	[sflag:s14] =	ssyncadd.s32 $0xFFFFC000  }
0x3c: {  	s30 =	simm.s32 $0x0;
	[bflag:$0x0] =	sbarrier.arrive $0xFFFF  }
0x3d: {  	[tilespmem:s16], [sflag:$0x1] =	stream.indirect.gather [hbm4b:s4+s17], $0x80, s30, s17, $0xb8;
	[tilespmem:$0x1D000] =	vst v63  }
0x3e: {  	_ =	swait.ge [sflag:s14], $0x4000  }
0x3f: {  	[sflag:s14] =	ssyncset.done $0x0  }
0x40: {  	s31 =	simm.s32 $0x2800;
	[sflag:s14] =	ssyncadd.s32 $0xFFFFC000  }
0x41: {  	[spmem:s1] =	stream.indirect.scatter.add.f32 [tilespmem:s16], [sflag:$0x1], $0x80, s31, s17, $0xb8;
	[tilespmem:$0x1D000] =	vst v63  }
0x42: {  	_ =	swait.ge [sflag:s14], $0x4000  }
0x43: {  	s21 =	simm.s32 $0x200;
	s22 =	simm.s32 $0x400;
	[sflag:s14] =	ssyncset.done $0x0  }
.LBB2_4:
0x44: {  	s23 =	sshra.s32 s21, $0x2  }
0x45: {  	[sflag:s14] =	ssyncadd.s32 $0xFFFFC000;
	s21 =	smov.u32 s22;
	s24 =	sadd.s32 $0x200, s22  }
0x46: {  	[tilespmem:s16], [sflag:$0x1] =	stream.indirect.gather [hbm4b:s4+s17], $0x80, s23, s17, $0xb8;
	[tilespmem:$0x1D000] =	vst v63  }
0x47: {  	p0 =	sne.s32 s22, $0x9C00;
	_ =	swait.ge [sflag:s14], $0x4000  }
.Ltmp1:
0x48: {  	[sflag:s14] =	ssyncset.done $0x0;
	(pc) =	sbr.rel @p0 .LBB2_4-.Ltmp1, $4  }
0x49: {  	s22 =	sadd.s32 $0x2800, s23;
	[sflag:s14] =	ssyncadd.s32 $0xFFFFC000  }
0x4a: {  	[spmem:s1] =	stream.indirect.scatter.add.f32 [tilespmem:s16], [sflag:$0x1], $0x80, s22, s17, $0xb8;
	[tilespmem:$0x1D000] =	vst v63  }
0x4b: {  	_ =	swait.ge [sflag:s14], $0x4000  }
0x4c: {  	s22 =	smov.u32 s24;
	[sflag:s14] =	ssyncset.done $0x0  }
0x4d: {  	s21 =	sshra.s32 s21, $0x2;
	[sflag:s14] =	ssyncadd.s32 $0xFFFFC000  }
0x4e: {  	[tilespmem:s16], [sflag:$0x1] =	stream.indirect.gather [hbm4b:s4+s17], $0x80, s21, s17, $0xb8;
	[tilespmem:$0x1D000] =	vst v63  }
0x4f: {  	_ =	swait.ge [sflag:s14], $0x4000  }
0x50: {  	[sflag:s14] =	ssyncset.done $0x0  }
0x51: {  	s21 =	sadd.s32 $0x2800, s21;
	[sflag:s14] =	ssyncadd.s32 $0xFFFFC000  }
0x52: {  	[spmem:s1] =	stream.indirect.scatter.add.f32 [tilespmem:s16], [sflag:$0x1], $0x80, s21, s17, $0xb8;
	[tilespmem:$0x1D000] =	vst v63  }
0x53: {  	_ =	swait.ge [sflag:s14], $0x4000  }
0x54: {  	s20 =	sadd.s32 $0x1, s20;
	[sflag:s14] =	ssyncset.done $0x0  }
0x55: {  	p0 =	sne.s32 s20, s9;
	[sflag:s14] =	ssyncadd.s32 $0xFFFFC000  }
.Ltmp2:
0x56: {  	[bflag:$0x0] =	sbarrier.arrive $0xFFFF;
	(pc) =	sbr.rel @p0 .LBB2_1-.Ltmp2, $4  }
0x57: {  	[hbm:s8], [sflag:s18] =	dma.local [spmem:s19], $0x2800  }
0x58: {  	_ =	swait.ge [sflag:s14], $0x2800  }
0x59: {  	[sflag:s14] =	ssyncset.done $0x0  }
0x5a: {  	[sflag:s14] =	ssyncadd.s32 $0xFFFFD800  }
0x5b: {  	_ =	sfence.sel $0x180000  }
0x5c: {  	[bflag:$0x0] =	sbarrier.arrive $0xFFFF  }
0x5d: {  	p0 =	sne.s32 s2, $0x0;
	_ =	strace $0x9000004A  }
0x5e: {  	s0 =	sadd.s32 @!p0 $0x100000, s0;
	[bflag:$0x2] =	sbarrier.arrive $0xFFFF  }
0x5f: {  	[sflag:s0] =	ssyncadd.tile.s32 @!p0 $0x1;
	_ =	shalt  }
.Lfunc_end2:
_tile_overlayer_lowered:
.L_overlay_start_2:
0x60: {  	(tag) =	ssettag $0x2  }
0x61: {  	s0 =	rddreg [dreg:$0x0];
	s2 =	stileid.u32  }
0x62: {  	s1 =	rddreg [dreg:$0x1];
	p0 =	sne.s32 s2, $0x0  }
0x63: {  	s3 =	rddreg [dreg:$0x2];
	[bflag:$0x3] =	sbarrier.arrive $0xFFFF;
	s2 =	simm.s32 @!p0 $0x1C01  }
0x64: {  	[timem:s3], [sflag:s2] =	dma.local @!p0 [hbm:s0], s1  }
0x65: {  	s0 =	simm.s32 @!p0 $0x1  }
0x66: {  	_ =	swait.ge @!p0 [sflag:s0], s1  }
0x67: {  	s1 =	ssub.s32 @!p0 $0x0, s1;
	[sflag:s0] =	ssyncset.done @!p0 $0x0  }
0x68: {  	[sflag:s0] =	ssyncadd.s32 @!p0 s1  }
0x69: {  	[bflag:$0x3] =	sbarrier.arrive $0xFFFF  }
0x6a: {  	_ =	shalt  }

// kernel: kernel.14.cloned.1.call-start
scs
__scs_entry_jumppad:
0x0: {  	(pc) =	sbr.rel $0x88, $3  }
0x1: {  	(tag) =	ssettag $0x0;
	lr =	simm.s32 $0x1  }
0x2: {  	[smem:$0x3F97] =	sst lr;
	_ =	strace $0xD0000000  }
0x3: {  	_ = 	snop  }
0x4: {  	_ = 	snop  }
0x5: {  	_ = 	snop  }
0x6: {  	_ = 	snop  }
0x7: {  	_ = 	snop  }
__scs_overlays_trampoline_lowered:
0x8: {  	[smem:$0x3FA6] =	sst s0  }
0x9: {  	[smem:$0x3FA7] =	sst s1  }
0xa: {  	[smem:$0x3FA8] =	sst s2  }
0xb: {  	[smem:$0x3FA9] =	sst s3  }
0xc: {  	[smem:$0x3FAA] =	sst s4  }
0xd: {  	[smem:$0x3FAB] =	sst s5  }
0xe: {  	[smem:$0x3FAC] =	sst s6  }
0xf: {  	[smem:$0x3FAD] =	sst s7  }
0x10: {  	[smem:$0x3FAE] =	sst s8  }
0x11: {  	[smem:$0x3FAF] =	sst s9;
	s0 =	simm.s32 @!p0 $0x0  }
0x12: {  	s1 =	sld [smem:$0x3F95];
	s0 =	simm.s32 @p0 $0x1  }
0x13: {  	[smem:$0x3FB0] =	sst s0;
	s0 =	simm.s32 @!p1 $0x0  }
0x14: {  	s2 =	sld [smem:$0x3F94];
	s0 =	simm.s32 @p1 $0x1  }
0x15: {  	[smem:$0x3FB1] =	sst s0;
	s0 =	simm.s32 @!p2 $0x0  }
0x16: {  	s3 =	sld [smem:$0x3FDB];
	s0 =	simm.s32 @p2 $0x1  }
0x17: {  	s4 =	simm.s32 $0x1BF5;
	[smem:$0x3FB3] =	sst s0  }
0x18: {  	s0 =	sld [smem:$0x3F96];
	_ =	swait.ge [sflag:s4], $0x0  }
0x19: {  	s7 =	sld [smem:$0x3F97]  }
0x1a: {  	s8 =	sadd.s32 $0xFFFFE003, lr  }
0x1b: {  	s9 =	sadd.s32 $0xFFFFFEF7, lr;
	s5 =	simm.s32 $0xFFFFFFFF;
	p2 =	slt.u32 s8, $0xFFFFF086  }
0x1c: {  	p1 =	slt.u32 s9, $0xF7A;
	s5 =	simm.s32 @!p2 $0x0  }
0x1d: {  	s5 =	simm.s32 @p1 $0x1;
	p0 =	seq.s32 s7, s2  }
0x1e: {  	s7 =	smul.u32 @!p0 $0xF7A, s2;
	p2 =	seq.s32 @!p0 s5, $0x0  }
0x1f: {  	s9 =	smul.u32 $0xF7A, s1;
	s8 =	simm.s32 @!p0 $0x1BF5;
	p2 =	por !p2, p0  }
0x20: {  	[sflag:s8] =	ssyncset.s32 @!p0 $0xFFFFF086;
	s6 =	sadd.s32 @!p0 s3, s7;
	s7 =	simm.s32 @!p0 $0x108  }
0x21: {  	s3 =	sadd.s32 s3, s9;
	s6 =	sadd.s32 @!p0 $0x88, s6;
	s7 =	simm.s32 @p2 $0x1082  }
0x22: {  	[simem:s7], [sflag:s8] =	dma.local @!p0 [hbm:s6], $0xF7A  }
0x23: {  	s9 =	sor.u32 $0xD0000000, s2;
	s6 =	simm.s32 $0x108;
	_ =	swait.ge @!p0 [sflag:s8], $0x0  }
0x24: {  	s3 =	sadd.s32 $0x88, s3;
	s6 =	simm.s32 @!p1 $0x1082;
	[sflag:s4] =	ssyncset.s32 $0xFFFFF086  }
0x25: {  	[simem:s6], [sflag:s4] =	dma.local [hbm:s3], $0xF7A  }
0x26: {  	[smem:$0x3F97] =	sst s1;
	(tag) =	ssettag s2;
	_ =	strace s9  }
0x27: {  	s1 =	sld [smem:$0x3FA7]  }
0x28: {  	s2 =	sld [smem:$0x3FA8]  }
0x29: {  	s4 =	sld [smem:$0x3FAA]  }
0x2a: {  	p0 =	seq.s32 s5, $0x0;
	s5 =	sld [smem:$0x3FAB]  }
0x2b: {  	s6 =	sld [smem:$0x3FAC]  }
0x2c: {  	s7 =	sld [smem:$0x3FAD]  }
0x2d: {  	s3 =	simm.s32 $0x108;
	s8 =	sld [smem:$0x3FAE]  }
0x2e: {  	s3 =	simm.s32 @!p0 $0x1082;
	s9 =	sld [smem:$0x3FAF]  }
0x2f: {  	lr =	sadd.s32 s0, s3;
	s0 =	sld [smem:$0x3FA6]  }
0x30: {  	s3 =	sld [smem:$0x3FA9]  }
0x31: {  	[smem:$0x3FB2] =	sst s10  }
0x32: {  	s10 =	sld [smem:$0x3FB0];
	_ =	sdelay $0x3  }
0x33: {  	p0 =	seq.s32 s10, $0x1;
	s10 =	sld [smem:$0x3FB2];
	_ =	sdelay $0x3  }
0x34: {  	[smem:$0x3FB2] =	sst s10  }
0x35: {  	s10 =	sld [smem:$0x3FB1];
	_ =	sdelay $0x3  }
0x36: {  	p1 =	seq.s32 s10, $0x1;
	s10 =	sld [smem:$0x3FB2];
	_ =	sdelay $0x3  }
0x37: {  	[smem:$0x3FB2] =	sst s10  }
0x38: {  	s10 =	sld [smem:$0x3FB3]  }
0x39: {  	_ = 	snop;
	(pc) =	sbr.ind lr, $3  }
0x3a: {  	_ = 	snop  }
0x3b: {  	_ = 	snop  }
0x3c: {  	p2 =	seq.s32 s10, $0x1;
	s10 =	sld [smem:$0x3FB2]  }
0x3d: {  	_ =	shalt  }
0x3e: {  	_ =	shalt  }
0x3f: {  	_ =	shalt  }
0x40: {  	_ =	shalt  }
0x41: {  	_ =	shalt  }
0x42: {  	_ =	shalt  }
0x43: {  	_ =	shalt  }
0x44: {  	_ =	shalt  }
0x45: {  	_ =	shalt  }
0x46: {  	_ =	shalt  }
0x47: {  	_ =	shalt  }
0x48: {  	_ =	shalt  }
0x49: {  	_ =	shalt  }
0x4a: {  	_ =	shalt  }
0x4b: {  	_ =	shalt  }
0x4c: {  	_ =	shalt  }
0x4d: {  	_ =	shalt  }
0x4e: {  	_ =	shalt  }
0x4f: {  	_ =	shalt  }
0x50: {  	_ =	shalt  }
0x51: {  	_ =	shalt  }
0x52: {  	_ =	shalt  }
0x53: {  	_ =	shalt  }
0x54: {  	_ =	shalt  }
0x55: {  	_ =	shalt  }
0x56: {  	_ =	shalt  }
0x57: {  	_ =	shalt  }
0x58: {  	_ =	shalt  }
0x59: {  	_ =	shalt  }
0x5a: {  	_ =	shalt  }
0x5b: {  	_ =	shalt  }
0x5c: {  	_ =	shalt  }
0x5d: {  	_ =	shalt  }
0x5e: {  	_ =	shalt  }
0x5f: {  	_ =	shalt  }
0x60: {  	_ =	shalt  }
0x61: {  	_ =	shalt  }
0x62: {  	_ =	shalt  }
0x63: {  	_ =	shalt  }
0x64: {  	_ =	shalt  }
0x65: {  	_ =	shalt  }
0x66: {  	_ =	shalt  }
0x67: {  	_ =	shalt  }
0x68: {  	_ =	shalt  }
0x69: {  	_ =	shalt  }
0x6a: {  	_ =	shalt  }
0x6b: {  	_ =	shalt  }
0x6c: {  	_ =	shalt  }
0x6d: {  	_ =	shalt  }
0x6e: {  	_ =	shalt  }
0x6f: {  	_ =	shalt  }
0x70: {  	_ =	shalt  }
0x71: {  	_ =	shalt  }
0x72: {  	_ =	shalt  }
0x73: {  	_ =	shalt  }
0x74: {  	_ =	shalt  }
0x75: {  	_ =	shalt  }
0x76: {  	_ =	shalt  }
0x77: {  	_ =	shalt  }
0x78: {  	_ =	shalt  }
0x79: {  	_ =	shalt  }
0x7a: {  	_ =	shalt  }
0x7b: {  	_ =	shalt  }
0x7c: {  	_ =	shalt  }
0x7d: {  	_ =	shalt  }
0x7e: {  	_ =	shalt  }
0x7f: {  	_ =	shalt  }
0x80: {  	_ =	shalt  }
0x81: {  	_ =	shalt  }
0x82: {  	_ =	shalt  }
0x83: {  	_ =	shalt  }
0x84: {  	_ =	shalt  }
0x85: {  	_ =	shalt  }
0x86: {  	_ =	shalt  }
0x87: {  	_ =	shalt  }
.Lfunc_end0:
.L_simem_size_0:
called_computation.2_lowered:
.L_overlay_start_0:
0x88: {  	s2 =	sld [smem:$0x3FD9]  }
0x89: {  	s3 =	sld [smem:$0x3FFE];
	_ =	sdelay $0x1  }
0x8a: {  	s1 =	srdreg.scid  }
0x8b: {  	s0 =	sand.u32 $0x1, s1  }
0x8c: {  	s16 =	sshll.u32 s0, $0xA;
	s2 =	sadd.s32 s3, s2  }
0x8d: {  	s2 =	sadd.s32 s2, s16  }
0x8e: {  	[smem:$0x3FBE] =	sst s2  }
0x8f: {  	_ = 	snop  }
0x90: {  	(tm) =	ssettm $0x1  }
0x91: {  	s17 =	sld [smem:$0x3FFB];
	_ =	sdelay $0x3  }
0x92: {  	_ =	strace s17  }
0x93: {  	s2 =	sld [smem:$0x3FFC];
	_ =	sdelay $0x3  }
0x94: {  	_ =	strace s2  }
0x95: {  	s2 =	sld [smem:$0x3FFD];
	_ =	sdelay $0x3  }
0x96: {  	_ =	strace s2  }
0x97: {  	_ =	strace $0x8FFFFFFF  }
0x98: {  	s18 =	sld [smem:$0x3FDB];
	_ =	sdelay $0x1  }
0x99: {  	s19 =	simm.s32 $_scs_section_size  }
0x9a: {  	s4 =	simm.s32 $_size__tile_overlayer_lowered;
	s5 =	simm.s32 $_tile_overlayer_lowered  }
0x9b: {  	s22 =	simm.s32 $0x1BFF;
	s21 =	sshll.u32 s5, $0x1;
	s2 =	sadd.s32 s19, s18  }
0x9c: {  	s6 =	simm.s32 $0x0;
	s20 =	sshll.u32 s4, $0x1;
	s4 =	sadd.s32 s21, s2  }
0x9d: {  	[timem:s6], [sflag:s22] =	dma.local [hbm:s4], s20  }
0x9e: {  	_ =	swait.ge [sflag:s22], s20  }
0x9f: {  	s3 =	ssub.s32 $0x0, s20;
	[sflag:s22] =	ssyncset.done $0x0  }
0xa0: {  	[sflag:s22] =	ssyncadd.s32 s3;
	_ =	sdelay $0x1  }
0xa1: {  	s23 =	simm.s32 $0x1B8B  }
0xa2: {  	_ =	swait.ge [sflag:s23], $0x1  }
0xa3: {  	[sflag:s23] =	ssyncset.done $0x0  }
0xa4: {  	s25 =	simm.s32 $0x1B8E;
	s24 =	sld [smem:$0x3FFE];
	[sflag:s23] =	ssyncadd.s32 $0xFFFFFFFF  }
0xa5: {  	s26 =	simm.s32 $execute0_lowered;
	[smem:$0x3FD2] =	sst s25  }
0xa6: {  	s4 =	sshll.u32 s26, $0x1;
	_ =	strace $0x8000004C;
	[dreg:$0x1] =	wrdreg $0xFFFFFFFF  }
0xa7: {  	s28 =	simm.s32 $_size_execute0_lowered;
	s2 =	sadd.s32 s2, s4;
	[dreg:$0x0] =	wrdreg $0x0  }
0xa8: {  	s4 =	sshll.u32 s28, $0x1;
	[dreg:$0x2] =	wrdreg s2  }
0xa9: {  	[dreg:$0x3] =	wrdreg s4  }
0xaa: {  	[dreg:$0x4] =	wrdreg $0xC0  }
0xab: {  	_ =	task [dreg:s6], $0x5FFFF  }
0xac: {  	[dreg:$0x1] =	wrdreg $0xFFFFFFFF  }
0xad: {  	[dreg:$0x0] =	wrdreg $0x60  }
0xae: {  	[dreg:$0x2] =	wrdreg s24  }
0xaf: {  	[dreg:$0x3] =	wrdreg $0x53800  }
0xb0: {  	[dreg:$0x4] =	wrdreg $0x9  }
0xb1: {  	_ =	task.clear_ibuf [dreg:s6], $0x5FFFF;
	_ =	strace $0x9000004C  }
0xb2: {  	s29 =	simm.s32 $0x9;
	_ =	strace $0x8000004E  }
0xb3: {  	_ =	swait.ge [sflag:s29], $0x1  }
0xb4: {  	[sflag:s29] =	ssyncadd.s32 $0xFFFFFFFF  }
0xb5: {  	_ =	strace $0x9000004E  }
0xb6: {  	_ =	sfence  }
0xb7: {  	s30 =	sld [smem:$0x0];
	_ =	sdelay $0x2  }
0xb8: {  	s31 =	sshll.u32 s1, $0xD;
	s1 =	sshrl.u32 s1, $0x2  }
0xb9: {  	s3 =	sand.u32 $0x4000, s31;
	s1 =	sadd.s32 s1, s30  }
0xba: {  	s0 =	sor.u32 s3, s0;
	s1 =	sshll.u32 s1, $0x11  }
0xbb: {  	s0 =	sor.u32 s1, s0  }
0xbc: {  	s0 =	sadd.s32 $0x8F2B, s0  }
0xbd: {  	[sflag:s0] =	ssyncadd.remote.s32 $0x1  }
0xbe: {  	_ =	sfence.sel $0xFFFF  }
0xbf: {  	[dreg:$0x0] =	wrdreg $0xFFFFFFFF;
	(pc) =	sbr.abs _section_cstart, $3  }
0xc0: {  	[dreg:$0x1] =	wrdreg $0xFFFFFFFF  }
0xc1: {  	_ =	task.clear_ibuf [dreg:s6], $0x2FFFF;
	_ =	strace $0x9FFFFFFF  }
0xc2: {  	(tm) =	ssettm $0x7FFFFFFF  }
0xc3: {  	_ =	shalt  }
tec
execute0_lowered:
.L_overlay_start_1:
0x0: {  	(tag) =	ssettag $0x1  }
0x1: {  	s5 =	rddreg [dreg:$0x0]  }
0x2: {  	s1 =	rddreg [dreg:$0x1]  }
0x3: {  	s0 =	rddreg [dreg:$0x2];
	s3 =	simm.s32 $0x0;
	s4 =	srdreg.scid  }
0x4: {  	s2 =	stileid.u32;
	s11 =	simm.s32 $0x5100;
	s12 =	simm.s32 $0x5000  }
0x5: {  	s13 =	simm.s32 $0x1;
	s14 =	simm.s32 $0x80;
	s15 =	simm.s32 $0x4F00  }
0x6: {  	s18 =	simm.s32 $0x20;
	s19 =	simm.s32 $0x10;
	s20 =	simm.s32 $0x0  }
0x7: {  	[smem:$0x7FF] =	sst s3;
	s6 =	sand.u32 $0x1, s4;
	s8 =	smul.u32 $0x500, s2  }
0x8: {  	s7 =	sshll.u32 s2, $0x1;
	s4 =	sadd.s32 $0x2000, s5;
	s10 =	smul.u32 $0xA00, s2  }
0x9: {  	s16 =	sshll.u32 s2, $0x6;
	_ =	strace $0x8000004D;
	s7 =	sor.u32 s6, s7  }
0xa: {  	s9 =	sshll.u32 s6, $0x7;
	s6 =	ssub.s32 $0x2, s6;
	s16 =	sor.u32 $0x1C02, s16  }
0xb: {  	s7 =	smul.u32 $0x500, s7;
	s8 =	sor.u32 s9, s8;
	s30 =	sshrl.u32 s6, $0x1  }
0xc: {  	s31 =	sshrl.u32 s10, $0x2;
	s10 =	simm.s32 $0x2;
	s8 =	sshrl.u32 s8, $0x3  }
0xd: {  	s9 =	ssub.s32 s6, s30;
	s7 =	sadd.s32 s7, s5;
	s8 =	sadd.s32 s8, s5  }
0xe: {  	s5 =	sadd.s32 $0xCC00, s7;
	s6 =	sadd.s32 $0x16C00, s7;
	s7 =	sadd.s32 s31, s1  }
0xf: {  	v0 =	vimm.f32 $0.0e+00;
	s9 =	smax.u32 s9, $0x1;
	s8 =	sadd.s32 $0x2600, s8;
	s17 =	sshrl.u32 s7, $0x3  }
.LBB2_1:
0x10: {  	[tilespmem:s3], [sflag:$0x2] =	stream.linear.gather [hbm4b:s5+s3], $0x2780, $0x38;
	[tilespmem:$0x5600] =	vst v63  }
0x11: {  	_ =	swait.ge [sflag:s10], $0x2780  }
0x12: {  	[sflag:s10] =	ssyncset.done $0x0  }
0x13: {  	s21 =	simm.s32 $0x2800;
	[sflag:s10] =	ssyncadd.s32 $0xFFFFD880  }
0x14: {  	[tilespmem:s21], [sflag:$0x2] =	stream.linear.gather [hbm4b:s6+s3], $0x2780, $0x38;
	[tilespmem:$0x5600] =	vst v63  }
0x15: {  	_ =	swait.ge [sflag:s10], $0x2780  }
0x16: {  	[sflag:s10] =	ssyncset.done $0x0  }
0x17: {  	[sflag:s10] =	ssyncadd.s32 $0xFFFFD880  }
0x18: {  	[tilespmem:$0x5100] =	vst v0  }
0x19: {  	[tilespmem:$0x5110] =	vst v0  }
0x1a: {  	[tilespmem:$0x5120] =	vst v0  }
0x1b: {  	[tilespmem:$0x5130] =	vst v0  }
0x1c: {  	[tilespmem:$0x5140] =	vst v0  }
0x1d: {  	[tilespmem:$0x5150] =	vst v0  }
0x1e: {  	[tilespmem:$0x5160] =	vst v0  }
0x1f: {  	[tilespmem:$0x5170] =	vst v0  }
0x20: {  	[tilespmem:$0x5180] =	vst v0  }
0x21: {  	[tilespmem:$0x5190] =	vst v0  }
0x22: {  	[tilespmem:$0x51A0] =	vst v0  }
0x23: {  	[tilespmem:$0x51B0] =	vst v0  }
0x24: {  	[tilespmem:$0x51C0] =	vst v0  }
0x25: {  	[tilespmem:$0x51D0] =	vst v0  }
0x26: {  	[tilespmem:$0x51E0] =	vst v0  }
0x27: {  	[tilespmem:$0x51F0] =	vst v0  }
0x28: {  	[tilespmem:$0x5200] =	vst v0  }
0x29: {  	[tilespmem:$0x5210] =	vst v0  }
0x2a: {  	[tilespmem:$0x5220] =	vst v0  }
0x2b: {  	[tilespmem:$0x5230] =	vst v0  }
0x2c: {  	[tilespmem:$0x5240] =	vst v0  }
0x2d: {  	[tilespmem:$0x5250] =	vst v0  }
0x2e: {  	[tilespmem:$0x5260] =	vst v0  }
0x2f: {  	[tilespmem:$0x5270] =	vst v0  }
0x30: {  	[tilespmem:$0x5280] =	vst v0  }
0x31: {  	[tilespmem:$0x5290] =	vst v0  }
0x32: {  	[tilespmem:$0x52A0] =	vst v0  }
0x33: {  	[tilespmem:$0x52B0] =	vst v0  }
0x34: {  	[tilespmem:$0x52C0] =	vst v0  }
0x35: {  	[tilespmem:$0x52D0] =	vst v0  }
0x36: {  	[tilespmem:$0x52E0] =	vst v0  }
0x37: {  	[tilespmem:$0x52F0] =	vst v0  }
0x38: {  	[tilespmem:$0x5300] =	vst v0  }
0x39: {  	[tilespmem:$0x5310] =	vst v0  }
0x3a: {  	[tilespmem:$0x5320] =	vst v0  }
0x3b: {  	[tilespmem:$0x5330] =	vst v0  }
0x3c: {  	[tilespmem:$0x5340] =	vst v0  }
0x3d: {  	[tilespmem:$0x5350] =	vst v0  }
0x3e: {  	[tilespmem:$0x5360] =	vst v0  }
0x3f: {  	[tilespmem:$0x5370] =	vst v0  }
0x40: {  	[spmem:s7] =	stream.linear.scatter [tilespmem:s11], [sflag:$0x2], $0x280, $0x38;
	[tilespmem:$0x5600] =	vst v63  }
0x41: {  	_ =	swait.ge [sflag:s10], $0x280  }
0x42: {  	[sflag:s10] =	ssyncset.done $0x0  }
0x43: {  	[sflag:s10] =	ssyncadd.s32 $0xFFFFFD80  }
0x44: {  	[bflag:$0x0] =	sbarrier.arrive $0xFFFF  }
0x45: {  	[tilespmem:s12], [sflag:$0x1] =	stream.indirect.gather [hbm4b:s4+s14], $0x1, s3, s14, $0xb8;
	[tilespmem:$0x5600] =	vst v63  }
0x46: {  	s22 =	simm.s32 $0x0;
	_ =	swait.ge [sflag:s13], $0x80  }
0x47: {  	s22 =	sand.u32 $0x80, s22;
	[sflag:s13] =	ssyncset.done $0x0  }
0x48: {  	s23 =	sxor.u32 $0x5080, s22;
	[sflag:s13] =	ssyncadd.s32 $0xFFFFFF80  }
0x49: {  	[tilespmem:s23], [sflag:$0x1] =	stream.indirect.gather [hbm4b:s4+s14], $0x1, s14, s14, $0xb8;
	[tilespmem:$0x5600] =	vst v63  }
0x4a: {  	s22 =	sor.u32 $0x5000, s22  }
0x4b: {  	[spmem:s1] =	stream.indirect.scatter.add.f32 [tilespmem:s22], [sflag:$0x2], $0x1, s21, s14, $0xb8;
	[tilespmem:$0x5600] =	vst v63  }
0x4c: {  	_ =	swait.ge [sflag:s10], $0x80  }
0x4d: {  	s23 =	simm.s32 $0x80;
	s22 =	simm.s32 $0x1;
	[sflag:s10] =	ssyncset.done $0x0  }
.LBB2_2:
0x4e: {  	[sflag:s10] =	ssyncadd.s32 $0xFFFFFF80;
	s21 =	sadd.s32 $0x80, s21;
	s23 =	sadd.s32 $0x80, s23  }
0x4f: {  	p0 =	sne.s32 s22, $0x4D;
	s24 =	smov.u32 s22;
	s22 =	sadd.s32 $0x1, s22  }
0x50: {  	s24 =	sshll.u32 s24, $0x7;
	_ =	swait.ge [sflag:s13], $0x80  }
0x51: {  	s24 =	sand.u32 $0x80, s24;
	[sflag:s13] =	ssyncset.done $0x0  }
0x52: {  	s25 =	sxor.u32 $0x5080, s24;
	[sflag:s13] =	ssyncadd.s32 $0xFFFFFF80  }
0x53: {  	[tilespmem:s25], [sflag:$0x1] =	stream.indirect.gather [hbm4b:s4+s14], $0x1, s23, s14, $0xb8;
	[tilespmem:$0x5600] =	vst v63  }
.Ltmp0:
0x54: {  	_ = 	snop;
	(pc) =	sbr.rel @p0 .LBB2_2-.Ltmp0, $4  }
0x55: {  	s24 =	sor.u32 $0x5000, s24  }
0x56: {  	[spmem:s1] =	stream.indirect.scatter.add.f32 [tilespmem:s24], [sflag:$0x2], $0x1, s21, s14, $0xb8;
	[tilespmem:$0x5600] =	vst v63  }
0x57: {  	_ =	swait.ge [sflag:s10], $0x80  }
0x58: {  	[sflag:s10] =	ssyncset.done $0x0  }
0x59: {  	[sflag:s10] =	ssyncadd.s32 $0xFFFFFF80  }
0x5a: {  	_ =	swait.ge [sflag:s13], $0x80  }
0x5b: {  	[sflag:s13] =	ssyncset.done $0x0  }
0x5c: {  	[sflag:s13] =	ssyncadd.s32 $0xFFFFFF80  }
0x5d: {  	[spmem:s1] =	stream.indirect.scatter.add.f32 [tilespmem:s12], [sflag:$0x2], $0x1, s15, s14, $0xb8;
	[tilespmem:$0x5600] =	vst v63  }
0x5e: {  	_ =	swait.ge [sflag:s10], $0x80  }
0x5f: {  	s20 =	sadd.s32 $0x1, s20;
	[sflag:s10] =	ssyncset.done $0x0  }
0x60: {  	p0 =	sne.s32 s20, s9;
	[sflag:s10] =	ssyncadd.s32 $0xFFFFFF80  }
.Ltmp1:
0x61: {  	[bflag:$0x0] =	sbarrier.arrive $0xFFFF;
	(pc) =	sbr.rel @p0 .LBB2_1-.Ltmp1, $4  }
0x62: {  	[hbm:s8@s18], [sflag:s16] =	dma.strided [spmem:s17@s19], $0x50, s13, $0x10   }
0x63: {  	_ =	swait.ge [sflag:s10], $0x50  }
0x64: {  	[sflag:s10] =	ssyncset.done $0x0  }
0x65: {  	[sflag:s10] =	ssyncadd.s32 $0xFFFFFFB0  }
0x66: {  	_ =	sfence.sel $0x180000  }
0x67: {  	[bflag:$0x0] =	sbarrier.arrive $0xFFFF  }
0x68: {  	p0 =	sne.s32 s2, $0x0;
	_ =	strace $0x9000004D  }
0x69: {  	s0 =	sadd.s32 @!p0 $0x100000, s0;
	[bflag:$0x2] =	sbarrier.arrive $0xFFFF  }
0x6a: {  	[sflag:s0] =	ssyncadd.tile.s32 @!p0 $0x1;
	_ =	shalt  }
.Lfunc_end2:
_tile_overlayer_lowered:
.L_overlay_start_2:
0x6b: {  	(tag) =	ssettag $0x2  }
0x6c: {  	s0 =	rddreg [dreg:$0x0];
	s2 =	stileid.u32  }
0x6d: {  	s1 =	rddreg [dreg:$0x1];
	p0 =	sne.s32 s2, $0x0  }
0x6e: {  	s3 =	rddreg [dreg:$0x2];
	[bflag:$0x3] =	sbarrier.arrive $0xFFFF;
	s2 =	simm.s32 @!p0 $0x1C02  }
0x6f: {  	[timem:s3], [sflag:s2] =	dma.local @!p0 [hbm:s0], s1  }
0x70: {  	s0 =	simm.s32 @!p0 $0x2  }
0x71: {  	_ =	swait.ge @!p0 [sflag:s0], s1  }
0x72: {  	s1 =	ssub.s32 @!p0 $0x0, s1;
	[sflag:s0] =	ssyncset.done @!p0 $0x0  }
0x73: {  	[sflag:s0] =	ssyncadd.s32 @!p0 s1  }
0x74: {  	[bflag:$0x3] =	sbarrier.arrive $0xFFFF  }
0x75: {  	_ =	shalt  }

// kernel: kernel.8.cloned.1.call-start
scs
__scs_entry_jumppad:
0x0: {  	(pc) =	sbr.rel $0x88, $3  }
0x1: {  	(tag) =	ssettag $0x0;
	lr =	simm.s32 $0x1  }
0x2: {  	[smem:$0x3F97] =	sst lr;
	_ =	strace $0xD0000000  }
0x3: {  	_ = 	snop  }
0x4: {  	_ = 	snop  }
0x5: {  	_ = 	snop  }
0x6: {  	_ = 	snop  }
0x7: {  	_ = 	snop  }
__scs_overlays_trampoline_lowered:
0x8: {  	[smem:$0x3FA6] =	sst s0  }
0x9: {  	[smem:$0x3FA7] =	sst s1  }
0xa: {  	[smem:$0x3FA8] =	sst s2  }
0xb: {  	[smem:$0x3FA9] =	sst s3  }
0xc: {  	[smem:$0x3FAA] =	sst s4  }
0xd: {  	[smem:$0x3FAB] =	sst s5  }
0xe: {  	[smem:$0x3FAC] =	sst s6  }
0xf: {  	[smem:$0x3FAD] =	sst s7  }
0x10: {  	[smem:$0x3FAE] =	sst s8  }
0x11: {  	[smem:$0x3FAF] =	sst s9;
	s0 =	simm.s32 @!p0 $0x0  }
0x12: {  	s1 =	sld [smem:$0x3F95];
	s0 =	simm.s32 @p0 $0x1  }
0x13: {  	[smem:$0x3FB0] =	sst s0;
	s0 =	simm.s32 @!p1 $0x0  }
0x14: {  	s2 =	sld [smem:$0x3F94];
	s0 =	simm.s32 @p1 $0x1  }
0x15: {  	[smem:$0x3FB1] =	sst s0;
	s0 =	simm.s32 @!p2 $0x0  }
0x16: {  	s3 =	sld [smem:$0x3FDB];
	s0 =	simm.s32 @p2 $0x1  }
0x17: {  	s4 =	simm.s32 $0x1BF5;
	[smem:$0x3FB3] =	sst s0  }
0x18: {  	s0 =	sld [smem:$0x3F96];
	_ =	swait.ge [sflag:s4], $0x0  }
0x19: {  	s7 =	sld [smem:$0x3F97]  }
0x1a: {  	s8 =	sadd.s32 $0xFFFFE003, lr  }
0x1b: {  	s9 =	sadd.s32 $0xFFFFFEF7, lr;
	s5 =	simm.s32 $0xFFFFFFFF;
	p2 =	slt.u32 s8, $0xFFFFF086  }
0x1c: {  	p1 =	slt.u32 s9, $0xF7A;
	s5 =	simm.s32 @!p2 $0x0  }
0x1d: {  	s5 =	simm.s32 @p1 $0x1;
	p0 =	seq.s32 s7, s2  }
0x1e: {  	s7 =	smul.u32 @!p0 $0xF7A, s2;
	p2 =	seq.s32 @!p0 s5, $0x0  }
0x1f: {  	s9 =	smul.u32 $0xF7A, s1;
	s8 =	simm.s32 @!p0 $0x1BF5;
	p2 =	por !p2, p0  }
0x20: {  	[sflag:s8] =	ssyncset.s32 @!p0 $0xFFFFF086;
	s6 =	sadd.s32 @!p0 s3, s7;
	s7 =	simm.s32 @!p0 $0x108  }
0x21: {  	s3 =	sadd.s32 s3, s9;
	s6 =	sadd.s32 @!p0 $0x88, s6;
	s7 =	simm.s32 @p2 $0x1082  }
0x22: {  	[simem:s7], [sflag:s8] =	dma.local @!p0 [hbm:s6], $0xF7A  }
0x23: {  	s9 =	sor.u32 $0xD0000000, s2;
	s6 =	simm.s32 $0x108;
	_ =	swait.ge @!p0 [sflag:s8], $0x0  }
0x24: {  	s3 =	sadd.s32 $0x88, s3;
	s6 =	simm.s32 @!p1 $0x1082;
	[sflag:s4] =	ssyncset.s32 $0xFFFFF086  }
0x25: {  	[simem:s6], [sflag:s4] =	dma.local [hbm:s3], $0xF7A  }
0x26: {  	[smem:$0x3F97] =	sst s1;
	(tag) =	ssettag s2;
	_ =	strace s9  }
0x27: {  	s1 =	sld [smem:$0x3FA7]  }
0x28: {  	s2 =	sld [smem:$0x3FA8]  }
0x29: {  	s4 =	sld [smem:$0x3FAA]  }
0x2a: {  	p0 =	seq.s32 s5, $0x0;
	s5 =	sld [smem:$0x3FAB]  }
0x2b: {  	s6 =	sld [smem:$0x3FAC]  }
0x2c: {  	s7 =	sld [smem:$0x3FAD]  }
0x2d: {  	s3 =	simm.s32 $0x108;
	s8 =	sld [smem:$0x3FAE]  }
0x2e: {  	s3 =	simm.s32 @!p0 $0x1082;
	s9 =	sld [smem:$0x3FAF]  }
0x2f: {  	lr =	sadd.s32 s0, s3;
	s0 =	sld [smem:$0x3FA6]  }
0x30: {  	s3 =	sld [smem:$0x3FA9]  }
0x31: {  	[smem:$0x3FB2] =	sst s10  }
0x32: {  	s10 =	sld [smem:$0x3FB0];
	_ =	sdelay $0x3  }
0x33: {  	p0 =	seq.s32 s10, $0x1;
	s10 =	sld [smem:$0x3FB2];
	_ =	sdelay $0x3  }
0x34: {  	[smem:$0x3FB2] =	sst s10  }
0x35: {  	s10 =	sld [smem:$0x3FB1];
	_ =	sdelay $0x3  }
0x36: {  	p1 =	seq.s32 s10, $0x1;
	s10 =	sld [smem:$0x3FB2];
	_ =	sdelay $0x3  }
0x37: {  	[smem:$0x3FB2] =	sst s10  }
0x38: {  	s10 =	sld [smem:$0x3FB3]  }
0x39: {  	_ = 	snop;
	(pc) =	sbr.ind lr, $3  }
0x3a: {  	_ = 	snop  }
0x3b: {  	_ = 	snop  }
0x3c: {  	p2 =	seq.s32 s10, $0x1;
	s10 =	sld [smem:$0x3FB2]  }
0x3d: {  	_ =	shalt  }
0x3e: {  	_ =	shalt  }
0x3f: {  	_ =	shalt  }
0x40: {  	_ =	shalt  }
0x41: {  	_ =	shalt  }
0x42: {  	_ =	shalt  }
0x43: {  	_ =	shalt  }
0x44: {  	_ =	shalt  }
0x45: {  	_ =	shalt  }
0x46: {  	_ =	shalt  }
0x47: {  	_ =	shalt  }
0x48: {  	_ =	shalt  }
0x49: {  	_ =	shalt  }
0x4a: {  	_ =	shalt  }
0x4b: {  	_ =	shalt  }
0x4c: {  	_ =	shalt  }
0x4d: {  	_ =	shalt  }
0x4e: {  	_ =	shalt  }
0x4f: {  	_ =	shalt  }
0x50: {  	_ =	shalt  }
0x51: {  	_ =	shalt  }
0x52: {  	_ =	shalt  }
0x53: {  	_ =	shalt  }
0x54: {  	_ =	shalt  }
0x55: {  	_ =	shalt  }
0x56: {  	_ =	shalt  }
0x57: {  	_ =	shalt  }
0x58: {  	_ =	shalt  }
0x59: {  	_ =	shalt  }
0x5a: {  	_ =	shalt  }
0x5b: {  	_ =	shalt  }
0x5c: {  	_ =	shalt  }
0x5d: {  	_ =	shalt  }
0x5e: {  	_ =	shalt  }
0x5f: {  	_ =	shalt  }
0x60: {  	_ =	shalt  }
0x61: {  	_ =	shalt  }
0x62: {  	_ =	shalt  }
0x63: {  	_ =	shalt  }
0x64: {  	_ =	shalt  }
0x65: {  	_ =	shalt  }
0x66: {  	_ =	shalt  }
0x67: {  	_ =	shalt  }
0x68: {  	_ =	shalt  }
0x69: {  	_ =	shalt  }
0x6a: {  	_ =	shalt  }
0x6b: {  	_ =	shalt  }
0x6c: {  	_ =	shalt  }
0x6d: {  	_ =	shalt  }
0x6e: {  	_ =	shalt  }
0x6f: {  	_ =	shalt  }
0x70: {  	_ =	shalt  }
0x71: {  	_ =	shalt  }
0x72: {  	_ =	shalt  }
0x73: {  	_ =	shalt  }
0x74: {  	_ =	shalt  }
0x75: {  	_ =	shalt  }
0x76: {  	_ =	shalt  }
0x77: {  	_ =	shalt  }
0x78: {  	_ =	shalt  }
0x79: {  	_ =	shalt  }
0x7a: {  	_ =	shalt  }
0x7b: {  	_ =	shalt  }
0x7c: {  	_ =	shalt  }
0x7d: {  	_ =	shalt  }
0x7e: {  	_ =	shalt  }
0x7f: {  	_ =	shalt  }
0x80: {  	_ =	shalt  }
0x81: {  	_ =	shalt  }
0x82: {  	_ =	shalt  }
0x83: {  	_ =	shalt  }
0x84: {  	_ =	shalt  }
0x85: {  	_ =	shalt  }
0x86: {  	_ =	shalt  }
0x87: {  	_ =	shalt  }
.Lfunc_end0:
.L_simem_size_0:
called_computation_lowered:
.L_overlay_start_0:
0x88: {  	s2 =	sld [smem:$0x3FD9]  }
0x89: {  	s3 =	sld [smem:$0x3FFE];
	_ =	sdelay $0x1  }
0x8a: {  	s1 =	srdreg.scid  }
0x8b: {  	s0 =	sand.u32 $0x1, s1  }
0x8c: {  	s16 =	sshll.u32 s0, $0xA;
	s2 =	sadd.s32 s3, s2  }
0x8d: {  	s2 =	sadd.s32 s2, s16  }
0x8e: {  	[smem:$0x3FBE] =	sst s2  }
0x8f: {  	_ = 	snop  }
0x90: {  	(tm) =	ssettm $0x1  }
0x91: {  	s17 =	sld [smem:$0x3FFB];
	_ =	sdelay $0x3  }
0x92: {  	_ =	strace s17  }
0x93: {  	s2 =	sld [smem:$0x3FFC];
	_ =	sdelay $0x3  }
0x94: {  	_ =	strace s2  }
0x95: {  	s2 =	sld [smem:$0x3FFD];
	_ =	sdelay $0x3  }
0x96: {  	_ =	strace s2  }
0x97: {  	_ =	strace $0x8FFFFFFF  }
0x98: {  	s18 =	sld [smem:$0x3FDB];
	_ =	sdelay $0x1  }
0x99: {  	s19 =	simm.s32 $_scs_section_size  }
0x9a: {  	s4 =	simm.s32 $_size__tile_overlayer_lowered;
	s5 =	simm.s32 $_tile_overlayer_lowered  }
0x9b: {  	s22 =	simm.s32 $0x1BFF;
	s21 =	sshll.u32 s5, $0x1;
	s2 =	sadd.s32 s19, s18  }
0x9c: {  	s6 =	simm.s32 $0x0;
	s20 =	sshll.u32 s4, $0x1;
	s4 =	sadd.s32 s21, s2  }
0x9d: {  	[timem:s6], [sflag:s22] =	dma.local [hbm:s4], s20  }
0x9e: {  	_ =	swait.ge [sflag:s22], s20  }
0x9f: {  	s3 =	ssub.s32 $0x0, s20;
	[sflag:s22] =	ssyncset.done $0x0  }
0xa0: {  	[sflag:s22] =	ssyncadd.s32 s3;
	_ =	sdelay $0x1  }
0xa1: {  	s23 =	simm.s32 $0x1B8B  }
0xa2: {  	_ =	swait.ge [sflag:s23], $0x1  }
0xa3: {  	[sflag:s23] =	ssyncset.done $0x0  }
0xa4: {  	s25 =	simm.s32 $0x1B8E;
	s24 =	sld [smem:$0x3FFE];
	[sflag:s23] =	ssyncadd.s32 $0xFFFFFFFF  }
0xa5: {  	s26 =	simm.s32 $execute0_lowered;
	[smem:$0x3FD2] =	sst s25  }
0xa6: {  	s4 =	sshll.u32 s26, $0x1;
	_ =	strace $0x80000046;
	[dreg:$0x1] =	wrdreg $0xFFFFFFFF  }
0xa7: {  	s28 =	simm.s32 $_size_execute0_lowered;
	s2 =	sadd.s32 s2, s4;
	[dreg:$0x0] =	wrdreg $0x0  }
0xa8: {  	s4 =	sshll.u32 s28, $0x1;
	[dreg:$0x2] =	wrdreg s2  }
0xa9: {  	[dreg:$0x3] =	wrdreg s4  }
0xaa: {  	[dreg:$0x4] =	wrdreg $0xC0  }
0xab: {  	_ =	task [dreg:s6], $0x5FFFF  }
0xac: {  	[dreg:$0x1] =	wrdreg $0xFFFFFFFF  }
0xad: {  	[dreg:$0x0] =	wrdreg $0x60  }
0xae: {  	[dreg:$0x2] =	wrdreg s24  }
0xaf: {  	[dreg:$0x3] =	wrdreg $0x53000  }
0xb0: {  	[dreg:$0x4] =	wrdreg $0x9  }
0xb1: {  	_ =	task.clear_ibuf [dreg:s6], $0x5FFFF;
	_ =	strace $0x90000046  }
0xb2: {  	s29 =	simm.s32 $0x9;
	_ =	strace $0x80000048  }
0xb3: {  	_ =	swait.ge [sflag:s29], $0x1  }
0xb4: {  	[sflag:s29] =	ssyncadd.s32 $0xFFFFFFFF  }
0xb5: {  	_ =	strace $0x90000048  }
0xb6: {  	_ =	sfence  }
0xb7: {  	s30 =	sld [smem:$0x0];
	_ =	sdelay $0x2  }
0xb8: {  	s31 =	sshll.u32 s1, $0xD;
	s1 =	sshrl.u32 s1, $0x2  }
0xb9: {  	s3 =	sand.u32 $0x4000, s31;
	s1 =	sadd.s32 s1, s30  }
0xba: {  	s0 =	sor.u32 s3, s0;
	s1 =	sshll.u32 s1, $0x11  }
0xbb: {  	s0 =	sor.u32 s1, s0  }
0xbc: {  	s0 =	sadd.s32 $0x8F2B, s0  }
0xbd: {  	[sflag:s0] =	ssyncadd.remote.s32 $0x1  }
0xbe: {  	_ =	sfence.sel $0xFFFF  }
0xbf: {  	[dreg:$0x0] =	wrdreg $0xFFFFFFFF;
	(pc) =	sbr.abs _section_cstart, $3  }
0xc0: {  	[dreg:$0x1] =	wrdreg $0xFFFFFFFF  }
0xc1: {  	_ =	task.clear_ibuf [dreg:s6], $0x2FFFF;
	_ =	strace $0x9FFFFFFF  }
0xc2: {  	(tm) =	ssettm $0x7FFFFFFF  }
0xc3: {  	_ =	shalt  }
tec
execute0_lowered:
.L_overlay_start_1:
0x0: {  	(tag) =	ssettag $0x1  }
0x1: {  	s4 =	rddreg [dreg:$0x0]  }
0x2: {  	s2 =	rddreg [dreg:$0x1]  }
0x3: {  	s0 =	rddreg [dreg:$0x2];
	s1 =	stileid.u32  }
0x4: {  	s3 =	simm.s32 $0x0;
	s6 =	srdreg.scid;
	s10 =	simm.s32 $0x5080  }
0x5: {  	s11 =	simm.s32 $0x80;
	s12 =	simm.s32 $0x5000;
	s5 =	smul.u32 $0x280, s1  }
0x6: {  	[smem:$0x7FF] =	sst s3;
	s7 =	smul.u32 $0xA00, s1;
	s13 =	sand.u32 $0x1, s6  }
0x7: {  	_ =	strace $0x80000047;
	s8 =	ssub.s32 $0x2, s13;
	p0 =	sne.s32 s13, $0x0  }
0x8: {  	s13 =	simm.s32 $0x0;
	s30 =	sshrl.u32 s5, $0x3;
	s7 =	sadd.s32 s7, s4  }
0x9: {  	s31 =	sshrl.u32 s8, $0x1;
	s5 =	sadd.s32 s5, s2;
	s9 =	sadd.s32 s30, s4  }
0xa: {  	s8 =	ssub.s32 s8, s31;
	s4 =	sadd.s32 $0x2000, s7;
	s6 =	sadd.s32 $0xC600, s9  }
0xb: {  	v0 =	vimm.f32 $1.000000000e+00;
	v1 =	vimm.f32 $0.0e+00;
	s7 =	sadd.s32 $0xC000, s9;
	s8 =	smax.u32 s8, $0x1;
	s9 =	simm.s32 $0x1  }
.LBB2_1:
0xc: {  	[tilespmem:s3], [sflag:$0x1] =	stream.linear.gather [hbm4b:s4+s3], $0x4E80, $0x38;
	[tilespmem:$0x5580] =	vst v63  }
0xd: {  	_ =	swait.ge [sflag:s9], $0x4E80  }
0xe: {  	[sflag:s9] =	ssyncset.done $0x0  }
0xf: {  	[sflag:s9] =	ssyncadd.s32 $0xFFFFB180  }
0x10: {  	[tilespmem:$0x5000] =	vst v0  }
0x11: {  	[tilespmem:$0x5010] =	vst v0  }
0x12: {  	[tilespmem:$0x5020] =	vst v0  }
0x13: {  	[tilespmem:$0x5030] =	vst v0  }
0x14: {  	[tilespmem:$0x5040] =	vst v0  }
0x15: {  	[tilespmem:$0x5050] =	vst v0  }
0x16: {  	[tilespmem:$0x5060] =	vst v0  }
0x17: {  	[tilespmem:$0x5070] =	vst v0  }
0x18: {  	[tilespmem:$0x5080] =	vst v1  }
0x19: {  	[tilespmem:$0x5090] =	vst v1  }
0x1a: {  	[tilespmem:$0x50A0] =	vst v1  }
0x1b: {  	[tilespmem:$0x50B0] =	vst v1  }
0x1c: {  	[tilespmem:$0x50C0] =	vst v1  }
0x1d: {  	[tilespmem:$0x50D0] =	vst v1  }
0x1e: {  	[tilespmem:$0x50E0] =	vst v1  }
0x1f: {  	[tilespmem:$0x50F0] =	vst v1  }
0x20: {  	[tilespmem:$0x5100] =	vst v1  }
0x21: {  	[tilespmem:$0x5110] =	vst v1  }
0x22: {  	[tilespmem:$0x5120] =	vst v1  }
0x23: {  	[tilespmem:$0x5130] =	vst v1  }
0x24: {  	[tilespmem:$0x5140] =	vst v1  }
0x25: {  	[tilespmem:$0x5150] =	vst v1  }
0x26: {  	[tilespmem:$0x5160] =	vst v1  }
0x27: {  	[tilespmem:$0x5170] =	vst v1  }
0x28: {  	[tilespmem:$0x5180] =	vst v1  }
0x29: {  	[tilespmem:$0x5190] =	vst v1  }
0x2a: {  	[tilespmem:$0x51A0] =	vst v1  }
0x2b: {  	[tilespmem:$0x51B0] =	vst v1  }
0x2c: {  	[tilespmem:$0x51C0] =	vst v1  }
0x2d: {  	[tilespmem:$0x51D0] =	vst v1  }
0x2e: {  	[tilespmem:$0x51E0] =	vst v1  }
0x2f: {  	[tilespmem:$0x51F0] =	vst v1  }
0x30: {  	[tilespmem:$0x5200] =	vst v1  }
0x31: {  	[tilespmem:$0x5210] =	vst v1  }
0x32: {  	[tilespmem:$0x5220] =	vst v1  }
0x33: {  	[tilespmem:$0x5230] =	vst v1  }
0x34: {  	[tilespmem:$0x5240] =	vst v1  }
0x35: {  	[tilespmem:$0x5250] =	vst v1  }
0x36: {  	[tilespmem:$0x5260] =	vst v1  }
0x37: {  	[tilespmem:$0x5270] =	vst v1  }
0x38: {  	[tilespmem:$0x5280] =	vst v1  }
0x39: {  	[tilespmem:$0x5290] =	vst v1  }
0x3a: {  	[tilespmem:$0x52A0] =	vst v1  }
0x3b: {  	[tilespmem:$0x52B0] =	vst v1  }
0x3c: {  	[tilespmem:$0x52C0] =	vst v1  }
0x3d: {  	[tilespmem:$0x52D0] =	vst v1  }
0x3e: {  	[tilespmem:$0x52E0] =	vst v1  }
0x3f: {  	[tilespmem:$0x52F0] =	vst v1  }
0x40: {  	[spmem:s5] =	stream.linear.scatter [tilespmem:s10], [sflag:$0x1], $0x280, $0x38;
	[tilespmem:$0x5580] =	vst v63  }
0x41: {  	_ =	swait.ge [sflag:s9], $0x280  }
0x42: {  	[sflag:s9] =	ssyncset.done $0x0  }
0x43: {  	[sflag:s9] =	ssyncadd.s32 $0xFFFFFD80  }
0x44: {  	s14 =	simm.s32 $0x0;
	[bflag:$0x0] =	sbarrier.arrive $0xFFFF  }
0x45: {  	[spmem:s2] =	stream.indirect.scatter.add.f32 [tilespmem:s12], [sflag:$0x1], $0x1, s14, s11, $0xb8;
	[tilespmem:$0x5580] =	vst v63  }
0x46: {  	_ =	swait.ge [sflag:s9], $0x80  }
0x47: {  	s14 =	simm.s32 $0x200;
	[sflag:s9] =	ssyncset.done $0x0  }
.LBB2_2:
0x48: {  	s15 =	sshra.s32 s14, $0x2;
	[sflag:s9] =	ssyncadd.s32 $0xFFFFFF80;
	p1 =	sne.s32 s14, $0x13800  }
0x49: {  	[spmem:s2] =	stream.indirect.scatter.add.f32 [tilespmem:s12], [sflag:$0x1], $0x1, s15, s11, $0xb8;
	[tilespmem:$0x5580] =	vst v63  }
.Ltmp0:
0x4a: {  	_ = 	snop;
	(pc) =	sbr.rel @p1 .LBB2_2-.Ltmp0, $4  }
0x4b: {  	_ = 	snop  }
0x4c: {  	s14 =	sadd.s32 $0x200, s14  }
0x4d: {  	_ =	swait.ge [sflag:s9], $0x80  }
0x4e: {  	[sflag:s9] =	ssyncset.done $0x0  }
0x4f: {  	[sflag:s9] =	ssyncadd.s32 $0xFFFFFF80  }
0x50: {  	[bflag:$0x0] =	sbarrier.arrive $0xFFFF  }
0x51: {  	[tilespmem:s10], [sflag:$0x1] =	stream.linear.gather [spmem:s5], $0x280, $0x38;
	[tilespmem:$0x5580] =	vst v63  }
0x52: {  	_ =	swait.ge [sflag:s9], $0x280  }
0x53: {  	[sflag:s9] =	ssyncset.done $0x0  }
0x54: {  	s14 =	simm.s32 @!p0 $0x0;
	s15 =	simm.s32 @!p0 $0x5080;
	[sflag:s9] =	ssyncadd.s32 $0xFFFFFD80  }
0x55: {  	[hbm4b:s6+s14] =	stream.linear.scatter @!p0 [tilespmem:s15], [sflag:$0x1], $0x280, $0x38;
	[tilespmem:$0x5580] =	vst v63  }
0x56: {  	s14 =	simm.s32 @!p0 $0x1  }
0x57: {  	_ =	swait.ge @!p0 [sflag:s14], $0x280  }
0x58: {  	[sflag:s14] =	ssyncset.done @!p0 $0x0  }
0x59: {  	s15 =	simm.s32 $0x40;
	[sflag:s14] =	ssyncadd.s32 @!p0 $0xFFFFFD80;
	s14 =	simm.s32 $0x0  }
.LBB2_4:
0x5a: {  	p1 =	sne.s32 s15, $0x9C0;
	v2 =	vld [tilespmem:s14+$0x5080];
	_ =	sdelay $0x4  }
0x5b: {  	v2 =	vmax.f32 v2, $1.000000000e+00  }
0x5c: {  	(erf) = vrcp.f32 v2;
	_ =	sdelay $0x5  }
.Ltmp1:
0x5d: {  	(pc) =	sbr.rel @p1 .LBB2_4-.Ltmp1, $3  }
0x5e: {  	_ =	sdelay $0x1  }
0x5f: {  	v2 =	vpop (erf)  }
0x60: {  	[tilespmem:s14+$0x5080] =	vst v2;
	s14 =	sshra.s32 s15, $0x2;
	s15 =	sadd.s32 $0x40, s15  }
0x61: {  	v2 =	vld [tilespmem:s14+$0x5080];
	_ =	sdelay $0x4  }
0x62: {  	v2 =	vmax.f32 v2, $1.000000000e+00  }
0x63: {  	(erf) = vrcp.f32 v2;
	_ =	sdelay $0x8  }
0x64: {  	s13 =	sadd.s32 $0x1, s13;
	v2 =	vpop (erf)  }
0x65: {  	s15 =	simm.s32 @!p0 $0x5080;
	p1 =	sne.s32 s13, s8;
	[tilespmem:s14+$0x5080] =	vst v2;
	s14 =	simm.s32 @!p0 $0x0  }
0x66: {  	[hbm4b:s7+s14] =	stream.linear.scatter @!p0 [tilespmem:s15], [sflag:$0x1], $0x280, $0x38;
	[tilespmem:$0x5580] =	vst v63  }
.Ltmp2:
0x67: {  	_ = 	snop;
	(pc) =	sbr.rel @p1 .LBB2_1-.Ltmp2, $4  }
0x68: {  	s14 =	simm.s32 @!p0 $0x1  }
0x69: {  	_ =	swait.ge @!p0 [sflag:s14], $0x280  }
0x6a: {  	[sflag:s14] =	ssyncset.done @!p0 $0x0  }
0x6b: {  	[sflag:s14] =	ssyncadd.s32 @!p0 $0xFFFFFD80  }
0x6c: {  	_ =	sfence.sel $0x180000  }
0x6d: {  	[bflag:$0x0] =	sbarrier.arrive $0xFFFF  }
0x6e: {  	p0 =	sne.s32 s1, $0x0;
	_ =	strace $0x90000047  }
0x6f: {  	s0 =	sadd.s32 @!p0 $0x100000, s0;
	[bflag:$0x2] =	sbarrier.arrive $0xFFFF  }
0x70: {  	[sflag:s0] =	ssyncadd.tile.s32 @!p0 $0x1;
	_ =	shalt  }
.Lfunc_end2:
_tile_overlayer_lowered:
.L_overlay_start_2:
0x71: {  	(tag) =	ssettag $0x2  }
0x72: {  	s0 =	rddreg [dreg:$0x0];
	s2 =	stileid.u32  }
0x73: {  	s1 =	rddreg [dreg:$0x1];
	p0 =	sne.s32 s2, $0x0  }
0x74: {  	s3 =	rddreg [dreg:$0x2];
	[bflag:$0x3] =	sbarrier.arrive $0xFFFF;
	s2 =	simm.s32 @!p0 $0x1C01  }
0x75: {  	[timem:s3], [sflag:s2] =	dma.local @!p0 [hbm:s0], s1  }
0x76: {  	s0 =	simm.s32 @!p0 $0x1  }
0x77: {  	_ =	swait.ge @!p0 [sflag:s0], s1  }
0x78: {  	s1 =	ssub.s32 @!p0 $0x0, s1;
	[sflag:s0] =	ssyncset.done @!p0 $0x0  }
0x79: {  	[sflag:s0] =	ssyncadd.s32 @!p0 s1  }
0x7a: {  	[bflag:$0x3] =	sbarrier.arrive $0xFFFF  }
0x7b: {  	_ =	shalt  }

</sc_bundles>
